<compile_context>
chip_gen: v7x
topology: tpu7x:2x2x1
jax: 0.10.2.dev20260603
libtpu: 0.0.44.dev20260713+nightly
codegen_flags: <defaults>
</compile_context>

<pallas_src>
import functools

import jax
import jax.numpy as jnp
from jax import lax
from jax.experimental import pallas as pl
from jax.experimental.pallas import tpu as pltpu
from jax.experimental.pallas import tpu_sc as plsc

_NUM_CORES = 2
_NUM_SUBCORES = 16
_LANES = 16
_NW = _NUM_CORES * _NUM_SUBCORES


def _proj_body(tablet_ref, w_ref, b_ref, out_ref, *, inv_l):
    tt = tablet_ref[...]
    w = w_ref[...]
    pt = lax.dot_general(w, tt, (((0,), (0,)), ((), ())),
                         preferred_element_type=jnp.float32)
    pt = (pt + b_ref[...]) * inv_l
    ui = lax.bitcast_convert_type(pt, jnp.uint32)
    r = (ui + jnp.uint32(0x8000)) & jnp.uint32(0xFFFF0000)
    hi = r[0:1, :]
    lo = r[1:2, :] >> jnp.uint32(16)
    out_ref[...] = lax.bitcast_convert_type(hi | lo, jnp.int32)


def _project_table_packed(table_t, W, b, seq_len):
    embed, vocab = table_t.shape
    out = W.shape[1]
    return pl.pallas_call(
        functools.partial(_proj_body, inv_l=1.0 / seq_len),
        out_shape=jax.ShapeDtypeStruct((1, vocab), jnp.int32),
    )(table_t, W, b.reshape(out, 1))


def _make_sc_kernel(vocab, batch, seq_len, out):
    cols_w = batch // _NW
    groups = cols_w // _LANES
    mesh = plsc.VectorSubcoreMesh(
        core_axis_name="c", subcore_axis_name="s")

    @functools.partial(
        pl.kernel,
        out_type=jax.ShapeDtypeStruct((out, batch), jnp.float32),
        mesh=mesh,
        scratch_types=[
            pltpu.VMEM((vocab,), jnp.int32),
            pltpu.VMEM((seq_len, cols_w), jnp.int32),
            pltpu.VMEM((out * cols_w,), jnp.float32),
            pltpu.SemaphoreType.DMA,
            pltpu.SemaphoreType.DMA,
        ],
        compiler_params=pltpu.CompilerParams(needs_layout_passes=False),
    )
    def sc_kernel(pt_hbm, tok_hbm, out_hbm, p_v, tok_v, out_v, sem_p, sem_t):
        wid = lax.axis_index("s") * _NUM_CORES + lax.axis_index("c")
        n_ch = 8
        chunk = vocab // n_ch // 8 * 8
        main = n_ch * chunk
        tail = vocab - main
        copies = []
        for j in range(n_ch):
            start = ((wid + j) & (n_ch - 1)) * chunk
            copies.append(pltpu.async_copy(
                pt_hbm.at[0, pl.ds(start, chunk)],
                p_v.at[pl.ds(start, chunk)], sem_p))
        if tail:
            copies.append(pltpu.async_copy(
                pt_hbm.at[0, pl.ds(main, tail)],
                p_v.at[pl.ds(main, tail)], sem_p))
        ct = pltpu.async_copy(
            tok_hbm.at[:, pl.ds(wid * cols_w, cols_w)], tok_v, sem_t)
        for c in copies:
            c.wait()
        ct.wait()
        zero = jnp.zeros((_LANES,), jnp.float32)
        mask_hi = jnp.full((_LANES,), 0xFFFF0000, jnp.uint32)
        unroll = 8
        n_chunks = seq_len // unroll

        def group_body(g, _):
            base = g * _LANES

            def jbody(jj, carry, base=base):
                acc0, acc1 = carry
                off = jj * unroll
                for u in range(unroll):
                    tok = tok_v[off + u, pl.ds(base, _LANES)]
                    w = plsc.bitcast(
                        plsc.load_gather(p_v, [tok]), jnp.uint32)
                    acc0 = acc0 + plsc.bitcast(w & mask_hi, jnp.float32)
                    acc1 = acc1 + plsc.bitcast(w << 16, jnp.float32)
                return acc0, acc1

            acc0, acc1 = lax.fori_loop(0, n_chunks, jbody, (zero, zero))
            out_v[pl.ds(base, _LANES)] = acc0
            out_v[pl.ds(cols_w + base, _LANES)] = acc1
            return 0

        lax.fori_loop(0, groups, group_body, 0)
        pltpu.sync_copy(out_v.at[pl.ds(0, cols_w)],
                        out_hbm.at[0, pl.ds(wid * cols_w, cols_w)])
        pltpu.sync_copy(out_v.at[pl.ds(cols_w, cols_w)],
                        out_hbm.at[1, pl.ds(wid * cols_w, cols_w)])

    return sc_kernel


def kernel(text_token, table, W, b):
    batch, seq_len = text_token.shape
    vocab, _ = table.shape
    out = W.shape[1]
    pt_packed = _project_table_packed(table.T, W, b, seq_len)
    sc = _make_sc_kernel(vocab, batch, seq_len, out)
    out_t = sc(pt_packed, text_token.T)
    return out_t.T

# --- scband reference (transcript-rebuilt; emitter-appended) ---
"""Pipeline reference for scband-text-net-180388626483 (READ-ONLY COPY).

The authoritative reference and input builder live on the scoring server;
editing this copy changes nothing except your own understanding.
"""

import jax, jax.numpy as jnp
import numpy as np

VOCAB = 18440
EMBED = 100
OUT = 2
B = 4096
L = 200

def setup_inputs(seed: int = 0) -> dict:
    key = jax.random.key(seed)
    k1, k2, k3, k4 = jax.random.split(key, 4)
    text_token = jax.random.randint(k1, (B, L), 0, VOCAB, dtype=jnp.int64 if jax.config.jax_enable_x64 else jnp.int32).astype(jnp.int32)
    table = jax.random.normal(k2, (VOCAB, EMBED), dtype=jnp.float32)
    W = jax.random.normal(k3, (EMBED, OUT), dtype=jnp.float32) * (1.0 / np.sqrt(EMBED))
    b = jax.random.normal(k4, (OUT,), dtype=jnp.float32) * 0.01
    return {"text_token": text_token, "table": table, "W": W, "b": b}

def reference(text_token, table, W, b):
    # embedding lookup: [B, L] -> [B, L, EMBED]
    embedded = jnp.take(table, text_token, axis=0)
    # avg_pool2d with kernel (L, 1) over [B, L, EMBED] then squeeze(1) == mean over seq dim
    pooled = jnp.mean(embedded, axis=1)
    # linear: [B, EMBED] @ [EMBED, OUT] + [OUT]
    out = pooled @ W + b
    return out

if __name__ == "__main__":
    import jax
    _d = setup_inputs()
    print(jax.jit(kernel)(*tuple(_d.values())))

</pallas_src>

<mosaic_0001>
#map = affine_map<(d0, d1) -> (0, 0)>
module attributes {stable_mosaic.version = 14 : i64} {
  func.func @sc_kernel(%arg0: i32, %arg1: i32, %arg2: memref<1x18440xi32, #tpu.memory_space<hbm>>, %arg3: memref<200x4096xi32, #tpu.memory_space<hbm>>, %arg4: memref<2x4096xf32, #tpu.memory_space<hbm>>, %arg5: memref<18440xi32, #tpu.memory_space<vmem>>, %arg6: memref<200x128xi32, #tpu.memory_space<vmem>>, %arg7: memref<256xf32, #tpu.memory_space<vmem>>, %arg8: memref<!tpu.dma_semaphore, #tpu.memory_space<semaphore_mem>>, %arg9: memref<!tpu.dma_semaphore, #tpu.memory_space<semaphore_mem>>) attributes {dimension_semantics = [#tpu.dimension_semantics<core_parallel>, #tpu.dimension_semantics<subcore_parallel>], iteration_bounds = array<i64: 2, 16>, scalar_prefetch = 0 : i64, scratch_operands = 5 : i64, tpu.core_type = #tpu.core_type<sc_vector_subcore>, window_params = [{transform_indices = #map}, {transform_indices = #map}, {transform_indices = #map}]} {
    %mul3A = arith.constant 2 : i32
    %mul3A_0 = arith.muli %arg1, %mul3A : i32
    %add3A = arith.addi %mul3A_0, %arg0 : i32
    %add3A_1 = arith.constant 0 : i32
    %add3A_2 = arith.addi %add3A, %add3A_1 : i32
    %and3A = arith.constant 7 : i32
    %and3A_3 = arith.andi %add3A_2, %and3A : i32
    %mul3A_4 = arith.constant 2304 : i32
    %mul3A_5 = arith.muli %and3A_3, %mul3A_4 : i32
    %dma_start3A = arith.constant 0 : i32
    %dma_start3A_6 = tpu.memref_slice %arg5[%mul3A_5] : memref<18440xi32, #tpu.memory_space<vmem>> -> memref<2304xi32, #tpu.memory_space<vmem>>
    %dma_start3A_7 = tpu.memref_slice %arg2[%dma_start3A, %mul3A_5] : memref<1x18440xi32, #tpu.memory_space<hbm>> -> memref<1x2304xi32, #tpu.memory_space<hbm>>
    %dma_start3A_8 = tpu.memref_squeeze %dma_start3A_7 : memref<1x2304xi32, #tpu.memory_space<hbm>> -> memref<2304xi32, #tpu.memory_space<hbm>>
    %dma_start3A_9 = tpu.memref_slice %arg5[%mul3A_5] : memref<18440xi32, #tpu.memory_space<vmem>> -> memref<2304xi32, #tpu.memory_space<vmem>>
    %dma_start3A_10 = tpu.memref_slice %arg2[%dma_start3A, %mul3A_5] : memref<1x18440xi32, #tpu.memory_space<hbm>> -> memref<1x2304xi32, #tpu.memory_space<hbm>>
    %dma_start3A_11 = tpu.memref_squeeze %dma_start3A_10 : memref<1x2304xi32, #tpu.memory_space<hbm>> -> memref<2304xi32, #tpu.memory_space<hbm>>
    tpu.enqueue_dma source(%dma_start3A_11 : memref<2304xi32, #tpu.memory_space<hbm>>) target(%dma_start3A_9 : memref<2304xi32, #tpu.memory_space<vmem>>) target_semaphore(%arg8 : memref<!tpu.dma_semaphore, #tpu.memory_space<semaphore_mem>>)
    %add3A_12 = arith.constant 1 : i32
    %add3A_13 = arith.addi %add3A, %add3A_12 : i32
    %and3A_14 = arith.constant 7 : i32
    %and3A_15 = arith.andi %add3A_13, %and3A_14 : i32
    %mul3A_16 = arith.constant 2304 : i32
    %mul3A_17 = arith.muli %and3A_15, %mul3A_16 : i32
    %dma_start3A_18 = arith.constant 0 : i32
    %dma_start3A_19 = tpu.memref_slice %arg5[%mul3A_17] : memref<18440xi32, #tpu.memory_space<vmem>> -> memref<2304xi32, #tpu.memory_space<vmem>>
    %dma_start3A_20 = tpu.memref_slice %arg2[%dma_start3A_18, %mul3A_17] : memref<1x18440xi32, #tpu.memory_space<hbm>> -> memref<1x2304xi32, #tpu.memory_space<hbm>>
    %dma_start3A_21 = tpu.memref_squeeze %dma_start3A_20 : memref<1x2304xi32, #tpu.memory_space<hbm>> -> memref<2304xi32, #tpu.memory_space<hbm>>
    %dma_start3A_22 = tpu.memref_slice %arg5[%mul3A_17] : memref<18440xi32, #tpu.memory_space<vmem>> -> memref<2304xi32, #tpu.memory_space<vmem>>
    %dma_start3A_23 = tpu.memref_slice %arg2[%dma_start3A_18, %mul3A_17] : memref<1x18440xi32, #tpu.memory_space<hbm>> -> memref<1x2304xi32, #tpu.memory_space<hbm>>
    %dma_start3A_24 = tpu.memref_squeeze %dma_start3A_23 : memref<1x2304xi32, #tpu.memory_space<hbm>> -> memref<2304xi32, #tpu.memory_space<hbm>>
    tpu.enqueue_dma source(%dma_start3A_24 : memref<2304xi32, #tpu.memory_space<hbm>>) target(%dma_start3A_22 : memref<2304xi32, #tpu.memory_space<vmem>>) target_semaphore(%arg8 : memref<!tpu.dma_semaphore, #tpu.memory_space<semaphore_mem>>)
    %add3A_25 = arith.constant 2 : i32
    %add3A_26 = arith.addi %add3A, %add3A_25 : i32
    %and3A_27 = arith.constant 7 : i32
    %and3A_28 = arith.andi %add3A_26, %and3A_27 : i32
    %mul3A_29 = arith.constant 2304 : i32
    %mul3A_30 = arith.muli %and3A_28, %mul3A_29 : i32
    %dma_start3A_31 = arith.constant 0 : i32
    %dma_start3A_32 = tpu.memref_slice %arg5[%mul3A_30] : memref<18440xi32, #tpu.memory_space<vmem>> -> memref<2304xi32, #tpu.memory_space<vmem>>
    %dma_start3A_33 = tpu.memref_slice %arg2[%dma_start3A_31, %mul3A_30] : memref<1x18440xi32, #tpu.memory_space<hbm>> -> memref<1x2304xi32, #tpu.memory_space<hbm>>
    %dma_start3A_34 = tpu.memref_squeeze %dma_start3A_33 : memref<1x2304xi32, #tpu.memory_space<hbm>> -> memref<2304xi32, #tpu.memory_space<hbm>>
    %dma_start3A_35 = tpu.memref_slice %arg5[%mul3A_30] : memref<18440xi32, #tpu.memory_space<vmem>> -> memref<2304xi32, #tpu.memory_space<vmem>>
    %dma_start3A_36 = tpu.memref_slice %arg2[%dma_start3A_31, %mul3A_30] : memref<1x18440xi32, #tpu.memory_space<hbm>> -> memref<1x2304xi32, #tpu.memory_space<hbm>>
    %dma_start3A_37 = tpu.memref_squeeze %dma_start3A_36 : memref<1x2304xi32, #tpu.memory_space<hbm>> -> memref<2304xi32, #tpu.memory_space<hbm>>
    tpu.enqueue_dma source(%dma_start3A_37 : memref<2304xi32, #tpu.memory_space<hbm>>) target(%dma_start3A_35 : memref<2304xi32, #tpu.memory_space<vmem>>) target_semaphore(%arg8 : memref<!tpu.dma_semaphore, #tpu.memory_space<semaphore_mem>>)
    %add3A_38 = arith.constant 3 : i32
    %add3A_39 = arith.addi %add3A, %add3A_38 : i32
    %and3A_40 = arith.constant 7 : i32
    %and3A_41 = arith.andi %add3A_39, %and3A_40 : i32
    %mul3A_42 = arith.constant 2304 : i32
    %mul3A_43 = arith.muli %and3A_41, %mul3A_42 : i32
    %dma_start3A_44 = arith.constant 0 : i32
    %dma_start3A_45 = tpu.memref_slice %arg5[%mul3A_43] : memref<18440xi32, #tpu.memory_space<vmem>> -> memref<2304xi32, #tpu.memory_space<vmem>>
    %dma_start3A_46 = tpu.memref_slice %arg2[%dma_start3A_44, %mul3A_43] : memref<1x18440xi32, #tpu.memory_space<hbm>> -> memref<1x2304xi32, #tpu.memory_space<hbm>>
    %dma_start3A_47 = tpu.memref_squeeze %dma_start3A_46 : memref<1x2304xi32, #tpu.memory_space<hbm>> -> memref<2304xi32, #tpu.memory_space<hbm>>
    %dma_start3A_48 = tpu.memref_slice %arg5[%mul3A_43] : memref<18440xi32, #tpu.memory_space<vmem>> -> memref<2304xi32, #tpu.memory_space<vmem>>
    %dma_start3A_49 = tpu.memref_slice %arg2[%dma_start3A_44, %mul3A_43] : memref<1x18440xi32, #tpu.memory_space<hbm>> -> memref<1x2304xi32, #tpu.memory_space<hbm>>
    %dma_start3A_50 = tpu.memref_squeeze %dma_start3A_49 : memref<1x2304xi32, #tpu.memory_space<hbm>> -> memref<2304xi32, #tpu.memory_space<hbm>>
    tpu.enqueue_dma source(%dma_start3A_50 : memref<2304xi32, #tpu.memory_space<hbm>>) target(%dma_start3A_48 : memref<2304xi32, #tpu.memory_space<vmem>>) target_semaphore(%arg8 : memref<!tpu.dma_semaphore, #tpu.memory_space<semaphore_mem>>)
    %add3A_51 = arith.constant 4 : i32
    %add3A_52 = arith.addi %add3A, %add3A_51 : i32
    %and3A_53 = arith.constant 7 : i32
    %and3A_54 = arith.andi %add3A_52, %and3A_53 : i32
    %mul3A_55 = arith.constant 2304 : i32
    %mul3A_56 = arith.muli %and3A_54, %mul3A_55 : i32
    %dma_start3A_57 = arith.constant 0 : i32
    %dma_start3A_58 = tpu.memref_slice %arg5[%mul3A_56] : memref<18440xi32, #tpu.memory_space<vmem>> -> memref<2304xi32, #tpu.memory_space<vmem>>
    %dma_start3A_59 = tpu.memref_slice %arg2[%dma_start3A_57, %mul3A_56] : memref<1x18440xi32, #tpu.memory_space<hbm>> -> memref<1x2304xi32, #tpu.memory_space<hbm>>
    %dma_start3A_60 = tpu.memref_squeeze %dma_start3A_59 : memref<1x2304xi32, #tpu.memory_space<hbm>> -> memref<2304xi32, #tpu.memory_space<hbm>>
    %dma_start3A_61 = tpu.memref_slice %arg5[%mul3A_56] : memref<18440xi32, #tpu.memory_space<vmem>> -> memref<2304xi32, #tpu.memory_space<vmem>>
    %dma_start3A_62 = tpu.memref_slice %arg2[%dma_start3A_57, %mul3A_56] : memref<1x18440xi32, #tpu.memory_space<hbm>> -> memref<1x2304xi32, #tpu.memory_space<hbm>>
    %dma_start3A_63 = tpu.memref_squeeze %dma_start3A_62 : memref<1x2304xi32, #tpu.memory_space<hbm>> -> memref<2304xi32, #tpu.memory_space<hbm>>
    tpu.enqueue_dma source(%dma_start3A_63 : memref<2304xi32, #tpu.memory_space<hbm>>) target(%dma_start3A_61 : memref<2304xi32, #tpu.memory_space<vmem>>) target_semaphore(%arg8 : memref<!tpu.dma_semaphore, #tpu.memory_space<semaphore_mem>>)
    %add3A_64 = arith.constant 5 : i32
    %add3A_65 = arith.addi %add3A, %add3A_64 : i32
    %and3A_66 = arith.constant 7 : i32
    %and3A_67 = arith.andi %add3A_65, %and3A_66 : i32
    %mul3A_68 = arith.constant 2304 : i32
    %mul3A_69 = arith.muli %and3A_67, %mul3A_68 : i32
    %dma_start3A_70 = arith.constant 0 : i32
    %dma_start3A_71 = tpu.memref_slice %arg5[%mul3A_69] : memref<18440xi32, #tpu.memory_space<vmem>> -> memref<2304xi32, #tpu.memory_space<vmem>>
    %dma_start3A_72 = tpu.memref_slice %arg2[%dma_start3A_70, %mul3A_69] : memref<1x18440xi32, #tpu.memory_space<hbm>> -> memref<1x2304xi32, #tpu.memory_space<hbm>>
    %dma_start3A_73 = tpu.memref_squeeze %dma_start3A_72 : memref<1x2304xi32, #tpu.memory_space<hbm>> -> memref<2304xi32, #tpu.memory_space<hbm>>
    %dma_start3A_74 = tpu.memref_slice %arg5[%mul3A_69] : memref<18440xi32, #tpu.memory_space<vmem>> -> memref<2304xi32, #tpu.memory_space<vmem>>
    %dma_start3A_75 = tpu.memref_slice %arg2[%dma_start3A_70, %mul3A_69] : memref<1x18440xi32, #tpu.memory_space<hbm>> -> memref<1x2304xi32, #tpu.memory_space<hbm>>
    %dma_start3A_76 = tpu.memref_squeeze %dma_start3A_75 : memref<1x2304xi32, #tpu.memory_space<hbm>> -> memref<2304xi32, #tpu.memory_space<hbm>>
    tpu.enqueue_dma source(%dma_start3A_76 : memref<2304xi32, #tpu.memory_space<hbm>>) target(%dma_start3A_74 : memref<2304xi32, #tpu.memory_space<vmem>>) target_semaphore(%arg8 : memref<!tpu.dma_semaphore, #tpu.memory_space<semaphore_mem>>)
    %add3A_77 = arith.constant 6 : i32
    %add3A_78 = arith.addi %add3A, %add3A_77 : i32
    %and3A_79 = arith.constant 7 : i32
    %and3A_80 = arith.andi %add3A_78, %and3A_79 : i32
    %mul3A_81 = arith.constant 2304 : i32
    %mul3A_82 = arith.muli %and3A_80, %mul3A_81 : i32
    %dma_start3A_83 = arith.constant 0 : i32
    %dma_start3A_84 = tpu.memref_slice %arg5[%mul3A_82] : memref<18440xi32, #tpu.memory_space<vmem>> -> memref<2304xi32, #tpu.memory_space<vmem>>
    %dma_start3A_85 = tpu.memref_slice %arg2[%dma_start3A_83, %mul3A_82] : memref<1x18440xi32, #tpu.memory_space<hbm>> -> memref<1x2304xi32, #tpu.memory_space<hbm>>
    %dma_start3A_86 = tpu.memref_squeeze %dma_start3A_85 : memref<1x2304xi32, #tpu.memory_space<hbm>> -> memref<2304xi32, #tpu.memory_space<hbm>>
    %dma_start3A_87 = tpu.memref_slice %arg5[%mul3A_82] : memref<18440xi32, #tpu.memory_space<vmem>> -> memref<2304xi32, #tpu.memory_space<vmem>>
    %dma_start3A_88 = tpu.memref_slice %arg2[%dma_start3A_83, %mul3A_82] : memref<1x18440xi32, #tpu.memory_space<hbm>> -> memref<1x2304xi32, #tpu.memory_space<hbm>>
    %dma_start3A_89 = tpu.memref_squeeze %dma_start3A_88 : memref<1x2304xi32, #tpu.memory_space<hbm>> -> memref<2304xi32, #tpu.memory_space<hbm>>
    tpu.enqueue_dma source(%dma_start3A_89 : memref<2304xi32, #tpu.memory_space<hbm>>) target(%dma_start3A_87 : memref<2304xi32, #tpu.memory_space<vmem>>) target_semaphore(%arg8 : memref<!tpu.dma_semaphore, #tpu.memory_space<semaphore_mem>>)
    %add3A_90 = arith.constant 7 : i32
    %add3A_91 = arith.addi %add3A, %add3A_90 : i32
    %and3A_92 = arith.constant 7 : i32
    %and3A_93 = arith.andi %add3A_91, %and3A_92 : i32
    %mul3A_94 = arith.constant 2304 : i32
    %mul3A_95 = arith.muli %and3A_93, %mul3A_94 : i32
    %dma_start3A_96 = arith.constant 0 : i32
    %dma_start3A_97 = tpu.memref_slice %arg5[%mul3A_95] : memref<18440xi32, #tpu.memory_space<vmem>> -> memref<2304xi32, #tpu.memory_space<vmem>>
    %dma_start3A_98 = tpu.memref_slice %arg2[%dma_start3A_96, %mul3A_95] : memref<1x18440xi32, #tpu.memory_space<hbm>> -> memref<1x2304xi32, #tpu.memory_space<hbm>>
    %dma_start3A_99 = tpu.memref_squeeze %dma_start3A_98 : memref<1x2304xi32, #tpu.memory_space<hbm>> -> memref<2304xi32, #tpu.memory_space<hbm>>
    %dma_start3A_100 = tpu.memref_slice %arg5[%mul3A_95] : memref<18440xi32, #tpu.memory_space<vmem>> -> memref<2304xi32, #tpu.memory_space<vmem>>
    %dma_start3A_101 = tpu.memref_slice %arg2[%dma_start3A_96, %mul3A_95] : memref<1x18440xi32, #tpu.memory_space<hbm>> -> memref<1x2304xi32, #tpu.memory_space<hbm>>
    %dma_start3A_102 = tpu.memref_squeeze %dma_start3A_101 : memref<1x2304xi32, #tpu.memory_space<hbm>> -> memref<2304xi32, #tpu.memory_space<hbm>>
    tpu.enqueue_dma source(%dma_start3A_102 : memref<2304xi32, #tpu.memory_space<hbm>>) target(%dma_start3A_100 : memref<2304xi32, #tpu.memory_space<vmem>>) target_semaphore(%arg8 : memref<!tpu.dma_semaphore, #tpu.memory_space<semaphore_mem>>)
    %dma_start3A_103 = arith.constant 0 : i32
    %dma_start3A_104 = arith.constant 18432 : i32
    %dma_start3A_105 = tpu.memref_slice %arg5[%dma_start3A_104] : memref<18440xi32, #tpu.memory_space<vmem>> -> memref<8xi32, #tpu.memory_space<vmem>>
    %dma_start3A_106 = arith.constant 18432 : i32
    %dma_start3A_107 = tpu.memref_slice %arg2[%dma_start3A_103, %dma_start3A_106] : memref<1x18440xi32, #tpu.memory_space<hbm>> -> memref<1x8xi32, #tpu.memory_space<hbm>>
    %dma_start3A_108 = tpu.memref_squeeze %dma_start3A_107 : memref<1x8xi32, #tpu.memory_space<hbm>> -> memref<8xi32, #tpu.memory_space<hbm>>
    %dma_start3A_109 = arith.constant 18432 : i32
    %dma_start3A_110 = tpu.memref_slice %arg5[%dma_start3A_109] : memref<18440xi32, #tpu.memory_space<vmem>> -> memref<8xi32, #tpu.memory_space<vmem>>
    %dma_start3A_111 = arith.constant 18432 : i32
    %dma_start3A_112 = tpu.memref_slice %arg2[%dma_start3A_103, %dma_start3A_111] : memref<1x18440xi32, #tpu.memory_space<hbm>> -> memref<1x8xi32, #tpu.memory_space<hbm>>
    %dma_start3A_113 = tpu.memref_squeeze %dma_start3A_112 : memref<1x8xi32, #tpu.memory_space<hbm>> -> memref<8xi32, #tpu.memory_space<hbm>>
    tpu.enqueue_dma source(%dma_start3A_113 : memref<8xi32, #tpu.memory_space<hbm>>) target(%dma_start3A_110 : memref<8xi32, #tpu.memory_space<vmem>>) target_semaphore(%arg8 : memref<!tpu.dma_semaphore, #tpu.memory_space<semaphore_mem>>)
    %mul3A_114 = arith.constant 128 : i32
    %mul3A_115 = arith.muli %add3A, %mul3A_114 : i32
    %dma_start3A_116 = arith.constant 0 : i32
    %dma_start3A_117 = tpu.memref_slice %arg3[%dma_start3A_116, %mul3A_115] : memref<200x4096xi32, #tpu.memory_space<hbm>> -> memref<200x128xi32, #tpu.memory_space<hbm>>
    %dma_start3A_118 = arith.constant 0 : i32
    %dma_start3A_119 = tpu.memref_slice %arg3[%dma_start3A_118, %mul3A_115] : memref<200x4096xi32, #tpu.memory_space<hbm>> -> memref<200x128xi32, #tpu.memory_space<hbm>>
    tpu.enqueue_dma source(%dma_start3A_119 : memref<200x128xi32, #tpu.memory_space<hbm>>) target(%arg6 : memref<200x128xi32, #tpu.memory_space<vmem>>) target_semaphore(%arg9 : memref<!tpu.dma_semaphore, #tpu.memory_space<semaphore_mem>>)
    %dma_wait3A = arith.constant 0 : i32
    %dma_wait3A_120 = tpu.memref_slice %arg5[%mul3A_5] : memref<18440xi32, #tpu.memory_space<vmem>> -> memref<2304xi32, #tpu.memory_space<vmem>>
    %dma_wait3A_121 = tpu.memref_slice %arg2[%dma_wait3A, %mul3A_5] : memref<1x18440xi32, #tpu.memory_space<hbm>> -> memref<1x2304xi32, #tpu.memory_space<hbm>>
    %dma_wait3A_122 = tpu.memref_squeeze %dma_wait3A_121 : memref<1x2304xi32, #tpu.memory_space<hbm>> -> memref<2304xi32, #tpu.memory_space<hbm>>
    %dma_wait3A_123 = tpu.memref_slice %arg5[%mul3A_5] : memref<18440xi32, #tpu.memory_space<vmem>> -> memref<2304xi32, #tpu.memory_space<vmem>>
    %dma_wait3A_124 = tpu.memref_slice %arg2[%dma_wait3A, %mul3A_5] : memref<1x18440xi32, #tpu.memory_space<hbm>> -> memref<1x2304xi32, #tpu.memory_space<hbm>>
    %dma_wait3A_125 = tpu.memref_squeeze %dma_wait3A_124 : memref<1x2304xi32, #tpu.memory_space<hbm>> -> memref<2304xi32, #tpu.memory_space<hbm>>
    tpu.wait_dma2 semaphore(%arg8 : memref<!tpu.dma_semaphore, #tpu.memory_space<semaphore_mem>>) src(%dma_wait3A_125 : memref<2304xi32, #tpu.memory_space<hbm>>) dst(%dma_wait3A_123 : memref<2304xi32, #tpu.memory_space<vmem>>)
    %dma_wait3A_126 = arith.constant 0 : i32
    %dma_wait3A_127 = tpu.memref_slice %arg5[%mul3A_17] : memref<18440xi32, #tpu.memory_space<vmem>> -> memref<2304xi32, #tpu.memory_space<vmem>>
    %dma_wait3A_128 = tpu.memref_slice %arg2[%dma_wait3A_126, %mul3A_17] : memref<1x18440xi32, #tpu.memory_space<hbm>> -> memref<1x2304xi32, #tpu.memory_space<hbm>>
    %dma_wait3A_129 = tpu.memref_squeeze %dma_wait3A_128 : memref<1x2304xi32, #tpu.memory_space<hbm>> -> memref<2304xi32, #tpu.memory_space<hbm>>
    %dma_wait3A_130 = tpu.memref_slice %arg5[%mul3A_17] : memref<18440xi32, #tpu.memory_space<vmem>> -> memref<2304xi32, #tpu.memory_space<vmem>>
    %dma_wait3A_131 = tpu.memref_slice %arg2[%dma_wait3A_126, %mul3A_17] : memref<1x18440xi32, #tpu.memory_space<hbm>> -> memref<1x2304xi32, #tpu.memory_space<hbm>>
    %dma_wait3A_132 = tpu.memref_squeeze %dma_wait3A_131 : memref<1x2304xi32, #tpu.memory_space<hbm>> -> memref<2304xi32, #tpu.memory_space<hbm>>
    tpu.wait_dma2 semaphore(%arg8 : memref<!tpu.dma_semaphore, #tpu.memory_space<semaphore_mem>>) src(%dma_wait3A_132 : memref<2304xi32, #tpu.memory_space<hbm>>) dst(%dma_wait3A_130 : memref<2304xi32, #tpu.memory_space<vmem>>)
    %dma_wait3A_133 = arith.constant 0 : i32
    %dma_wait3A_134 = tpu.memref_slice %arg5[%mul3A_30] : memref<18440xi32, #tpu.memory_space<vmem>> -> memref<2304xi32, #tpu.memory_space<vmem>>
    %dma_wait3A_135 = tpu.memref_slice %arg2[%dma_wait3A_133, %mul3A_30] : memref<1x18440xi32, #tpu.memory_space<hbm>> -> memref<1x2304xi32, #tpu.memory_space<hbm>>
    %dma_wait3A_136 = tpu.memref_squeeze %dma_wait3A_135 : memref<1x2304xi32, #tpu.memory_space<hbm>> -> memref<2304xi32, #tpu.memory_space<hbm>>
    %dma_wait3A_137 = tpu.memref_slice %arg5[%mul3A_30] : memref<18440xi32, #tpu.memory_space<vmem>> -> memref<2304xi32, #tpu.memory_space<vmem>>
    %dma_wait3A_138 = tpu.memref_slice %arg2[%dma_wait3A_133, %mul3A_30] : memref<1x18440xi32, #tpu.memory_space<hbm>> -> memref<1x2304xi32, #tpu.memory_space<hbm>>
    %dma_wait3A_139 = tpu.memref_squeeze %dma_wait3A_138 : memref<1x2304xi32, #tpu.memory_space<hbm>> -> memref<2304xi32, #tpu.memory_space<hbm>>
    tpu.wait_dma2 semaphore(%arg8 : memref<!tpu.dma_semaphore, #tpu.memory_space<semaphore_mem>>) src(%dma_wait3A_139 : memref<2304xi32, #tpu.memory_space<hbm>>) dst(%dma_wait3A_137 : memref<2304xi32, #tpu.memory_space<vmem>>)
    %dma_wait3A_140 = arith.constant 0 : i32
    %dma_wait3A_141 = tpu.memref_slice %arg5[%mul3A_43] : memref<18440xi32, #tpu.memory_space<vmem>> -> memref<2304xi32, #tpu.memory_space<vmem>>
    %dma_wait3A_142 = tpu.memref_slice %arg2[%dma_wait3A_140, %mul3A_43] : memref<1x18440xi32, #tpu.memory_space<hbm>> -> memref<1x2304xi32, #tpu.memory_space<hbm>>
    %dma_wait3A_143 = tpu.memref_squeeze %dma_wait3A_142 : memref<1x2304xi32, #tpu.memory_space<hbm>> -> memref<2304xi32, #tpu.memory_space<hbm>>
    %dma_wait3A_144 = tpu.memref_slice %arg5[%mul3A_43] : memref<18440xi32, #tpu.memory_space<vmem>> -> memref<2304xi32, #tpu.memory_space<vmem>>
    %dma_wait3A_145 = tpu.memref_slice %arg2[%dma_wait3A_140, %mul3A_43] : memref<1x18440xi32, #tpu.memory_space<hbm>> -> memref<1x2304xi32, #tpu.memory_space<hbm>>
    %dma_wait3A_146 = tpu.memref_squeeze %dma_wait3A_145 : memref<1x2304xi32, #tpu.memory_space<hbm>> -> memref<2304xi32, #tpu.memory_space<hbm>>
    tpu.wait_dma2 semaphore(%arg8 : memref<!tpu.dma_semaphore, #tpu.memory_space<semaphore_mem>>) src(%dma_wait3A_146 : memref<2304xi32, #tpu.memory_space<hbm>>) dst(%dma_wait3A_144 : memref<2304xi32, #tpu.memory_space<vmem>>)
    %dma_wait3A_147 = arith.constant 0 : i32
    %dma_wait3A_148 = tpu.memref_slice %arg5[%mul3A_56] : memref<18440xi32, #tpu.memory_space<vmem>> -> memref<2304xi32, #tpu.memory_space<vmem>>
    %dma_wait3A_149 = tpu.memref_slice %arg2[%dma_wait3A_147, %mul3A_56] : memref<1x18440xi32, #tpu.memory_space<hbm>> -> memref<1x2304xi32, #tpu.memory_space<hbm>>
    %dma_wait3A_150 = tpu.memref_squeeze %dma_wait3A_149 : memref<1x2304xi32, #tpu.memory_space<hbm>> -> memref<2304xi32, #tpu.memory_space<hbm>>
    %dma_wait3A_151 = tpu.memref_slice %arg5[%mul3A_56] : memref<18440xi32, #tpu.memory_space<vmem>> -> memref<2304xi32, #tpu.memory_space<vmem>>
    %dma_wait3A_152 = tpu.memref_slice %arg2[%dma_wait3A_147, %mul3A_56] : memref<1x18440xi32, #tpu.memory_space<hbm>> -> memref<1x2304xi32, #tpu.memory_space<hbm>>
    %dma_wait3A_153 = tpu.memref_squeeze %dma_wait3A_152 : memref<1x2304xi32, #tpu.memory_space<hbm>> -> memref<2304xi32, #tpu.memory_space<hbm>>
    tpu.wait_dma2 semaphore(%arg8 : memref<!tpu.dma_semaphore, #tpu.memory_space<semaphore_mem>>) src(%dma_wait3A_153 : memref<2304xi32, #tpu.memory_space<hbm>>) dst(%dma_wait3A_151 : memref<2304xi32, #tpu.memory_space<vmem>>)
    %dma_wait3A_154 = arith.constant 0 : i32
    %dma_wait3A_155 = tpu.memref_slice %arg5[%mul3A_69] : memref<18440xi32, #tpu.memory_space<vmem>> -> memref<2304xi32, #tpu.memory_space<vmem>>
    %dma_wait3A_156 = tpu.memref_slice %arg2[%dma_wait3A_154, %mul3A_69] : memref<1x18440xi32, #tpu.memory_space<hbm>> -> memref<1x2304xi32, #tpu.memory_space<hbm>>
    %dma_wait3A_157 = tpu.memref_squeeze %dma_wait3A_156 : memref<1x2304xi32, #tpu.memory_space<hbm>> -> memref<2304xi32, #tpu.memory_space<hbm>>
    %dma_wait3A_158 = tpu.memref_slice %arg5[%mul3A_69] : memref<18440xi32, #tpu.memory_space<vmem>> -> memref<2304xi32, #tpu.memory_space<vmem>>
    %dma_wait3A_159 = tpu.memref_slice %arg2[%dma_wait3A_154, %mul3A_69] : memref<1x18440xi32, #tpu.memory_space<hbm>> -> memref<1x2304xi32, #tpu.memory_space<hbm>>
    %dma_wait3A_160 = tpu.memref_squeeze %dma_wait3A_159 : memref<1x2304xi32, #tpu.memory_space<hbm>> -> memref<2304xi32, #tpu.memory_space<hbm>>
    tpu.wait_dma2 semaphore(%arg8 : memref<!tpu.dma_semaphore, #tpu.memory_space<semaphore_mem>>) src(%dma_wait3A_160 : memref<2304xi32, #tpu.memory_space<hbm>>) dst(%dma_wait3A_158 : memref<2304xi32, #tpu.memory_space<vmem>>)
    %dma_wait3A_161 = arith.constant 0 : i32
    %dma_wait3A_162 = tpu.memref_slice %arg5[%mul3A_82] : memref<18440xi32, #tpu.memory_space<vmem>> -> memref<2304xi32, #tpu.memory_space<vmem>>
    %dma_wait3A_163 = tpu.memref_slice %arg2[%dma_wait3A_161, %mul3A_82] : memref<1x18440xi32, #tpu.memory_space<hbm>> -> memref<1x2304xi32, #tpu.memory_space<hbm>>
    %dma_wait3A_164 = tpu.memref_squeeze %dma_wait3A_163 : memref<1x2304xi32, #tpu.memory_space<hbm>> -> memref<2304xi32, #tpu.memory_space<hbm>>
    %dma_wait3A_165 = tpu.memref_slice %arg5[%mul3A_82] : memref<18440xi32, #tpu.memory_space<vmem>> -> memref<2304xi32, #tpu.memory_space<vmem>>
    %dma_wait3A_166 = tpu.memref_slice %arg2[%dma_wait3A_161, %mul3A_82] : memref<1x18440xi32, #tpu.memory_space<hbm>> -> memref<1x2304xi32, #tpu.memory_space<hbm>>
    %dma_wait3A_167 = tpu.memref_squeeze %dma_wait3A_166 : memref<1x2304xi32, #tpu.memory_space<hbm>> -> memref<2304xi32, #tpu.memory_space<hbm>>
    tpu.wait_dma2 semaphore(%arg8 : memref<!tpu.dma_semaphore, #tpu.memory_space<semaphore_mem>>) src(%dma_wait3A_167 : memref<2304xi32, #tpu.memory_space<hbm>>) dst(%dma_wait3A_165 : memref<2304xi32, #tpu.memory_space<vmem>>)
    %dma_wait3A_168 = arith.constant 0 : i32
    %dma_wait3A_169 = tpu.memref_slice %arg5[%mul3A_95] : memref<18440xi32, #tpu.memory_space<vmem>> -> memref<2304xi32, #tpu.memory_space<vmem>>
    %dma_wait3A_170 = tpu.memref_slice %arg2[%dma_wait3A_168, %mul3A_95] : memref<1x18440xi32, #tpu.memory_space<hbm>> -> memref<1x2304xi32, #tpu.memory_space<hbm>>
    %dma_wait3A_171 = tpu.memref_squeeze %dma_wait3A_170 : memref<1x2304xi32, #tpu.memory_space<hbm>> -> memref<2304xi32, #tpu.memory_space<hbm>>
    %dma_wait3A_172 = tpu.memref_slice %arg5[%mul3A_95] : memref<18440xi32, #tpu.memory_space<vmem>> -> memref<2304xi32, #tpu.memory_space<vmem>>
    %dma_wait3A_173 = tpu.memref_slice %arg2[%dma_wait3A_168, %mul3A_95] : memref<1x18440xi32, #tpu.memory_space<hbm>> -> memref<1x2304xi32, #tpu.memory_space<hbm>>
    %dma_wait3A_174 = tpu.memref_squeeze %dma_wait3A_173 : memref<1x2304xi32, #tpu.memory_space<hbm>> -> memref<2304xi32, #tpu.memory_space<hbm>>
    tpu.wait_dma2 semaphore(%arg8 : memref<!tpu.dma_semaphore, #tpu.memory_space<semaphore_mem>>) src(%dma_wait3A_174 : memref<2304xi32, #tpu.memory_space<hbm>>) dst(%dma_wait3A_172 : memref<2304xi32, #tpu.memory_space<vmem>>)
    %dma_wait3A_175 = arith.constant 0 : i32
    %dma_wait3A_176 = arith.constant 18432 : i32
    %dma_wait3A_177 = tpu.memref_slice %arg5[%dma_wait3A_176] : memref<18440xi32, #tpu.memory_space<vmem>> -> memref<8xi32, #tpu.memory_space<vmem>>
    %dma_wait3A_178 = arith.constant 18432 : i32
    %dma_wait3A_179 = tpu.memref_slice %arg2[%dma_wait3A_175, %dma_wait3A_178] : memref<1x18440xi32, #tpu.memory_space<hbm>> -> memref<1x8xi32, #tpu.memory_space<hbm>>
    %dma_wait3A_180 = tpu.memref_squeeze %dma_wait3A_179 : memref<1x8xi32, #tpu.memory_space<hbm>> -> memref<8xi32, #tpu.memory_space<hbm>>
    %dma_wait3A_181 = arith.constant 18432 : i32
    %dma_wait3A_182 = tpu.memref_slice %arg5[%dma_wait3A_181] : memref<18440xi32, #tpu.memory_space<vmem>> -> memref<8xi32, #tpu.memory_space<vmem>>
    %dma_wait3A_183 = arith.constant 18432 : i32
    %dma_wait3A_184 = tpu.memref_slice %arg2[%dma_wait3A_175, %dma_wait3A_183] : memref<1x18440xi32, #tpu.memory_space<hbm>> -> memref<1x8xi32, #tpu.memory_space<hbm>>
    %dma_wait3A_185 = tpu.memref_squeeze %dma_wait3A_184 : memref<1x8xi32, #tpu.memory_space<hbm>> -> memref<8xi32, #tpu.memory_space<hbm>>
    tpu.wait_dma2 semaphore(%arg8 : memref<!tpu.dma_semaphore, #tpu.memory_space<semaphore_mem>>) src(%dma_wait3A_185 : memref<8xi32, #tpu.memory_space<hbm>>) dst(%dma_wait3A_182 : memref<8xi32, #tpu.memory_space<vmem>>)
    %dma_wait3A_186 = arith.constant 0 : i32
    %dma_wait3A_187 = tpu.memref_slice %arg3[%dma_wait3A_186, %mul3A_115] : memref<200x4096xi32, #tpu.memory_space<hbm>> -> memref<200x128xi32, #tpu.memory_space<hbm>>
    %dma_wait3A_188 = arith.constant 0 : i32
    %dma_wait3A_189 = tpu.memref_slice %arg3[%dma_wait3A_188, %mul3A_115] : memref<200x4096xi32, #tpu.memory_space<hbm>> -> memref<200x128xi32, #tpu.memory_space<hbm>>
    tpu.wait_dma2 semaphore(%arg9 : memref<!tpu.dma_semaphore, #tpu.memory_space<semaphore_mem>>) src(%dma_wait3A_189 : memref<200x128xi32, #tpu.memory_space<hbm>>) dst(%arg6 : memref<200x128xi32, #tpu.memory_space<vmem>>)
    %broadcast_in_dim3A = arith.constant 0.000000e+00 : f32
    %broadcast_in_dim3A_190 = vector.broadcast %broadcast_in_dim3A : f32 to vector<16xf32>
    %broadcast_in_dim3A_191 = arith.constant -65536 : i32
    %broadcast_in_dim3A_192 = vector.broadcast %broadcast_in_dim3A_191 : i32 to vector<16xi32>
    %scan3A = arith.constant 0 : i32
    %scan3A_193 = arith.constant 0 : i32
    %scan3A_194 = arith.constant 8 : i32
    %scan3A_195 = arith.addi %scan3A_193, %scan3A_194 : i32
    %scan3A_196 = arith.constant 1 : i32
    %scan3A_197 = scf.for %scan3A_204 = %scan3A_193 to %scan3A_195 step %scan3A_196 iter_args(%scan3A_205 = %scan3A) -> (i32)  : i32 {
      %mul3A_206 = arith.constant 16 : i32
      %mul3A_207 = arith.muli %scan3A_204, %mul3A_206 : i32
      %scan3A_208 = arith.constant 0 : i32
      %scan3A_209 = arith.constant 25 : i32
      %scan3A_210 = arith.addi %scan3A_208, %scan3A_209 : i32
      %scan3A_211 = arith.constant 1 : i32
      %scan3A_212:2 = scf.for %scan3A_220 = %scan3A_208 to %scan3A_210 step %scan3A_211 iter_args(%scan3A_221 = %broadcast_in_dim3A_190, %scan3A_222 = %broadcast_in_dim3A_190) -> (vector<16xf32>, vector<16xf32>)  : i32 {
        %mul3A_223 = arith.constant 8 : i32
        %mul3A_224 = arith.muli %scan3A_220, %mul3A_223 : i32
        %add3A_225 = arith.constant 0 : i32
        %add3A_226 = arith.addi %mul3A_224, %add3A_225 : i32
        %get3A = arith.index_cast %add3A_226 : i32 to index
        %get3A_227 = arith.index_cast %mul3A_207 : i32 to index
        %get3A_228 = tpu.vector_load %arg6[%get3A, %get3A_227] {strides = array<i32>} : memref<200x128xi32, #tpu.memory_space<vmem>>, vector<16xi32>,
        %gather3A = tpu.vector_load_idx %arg5[%get3A_228] : memref<18440xi32, #tpu.memory_space<vmem>>[vector<16xi32>], vector<16xi32>,
        %bitcast3A = vector.bitcast %gather3A : vector<16xi32> to vector<16xi32>
        %and3A_229 = arith.andi %bitcast3A, %broadcast_in_dim3A_192 : vector<16xi32>
        %bitcast3A_230 = vector.bitcast %and3A_229 : vector<16xi32> to vector<16xf32>
        %add3A_231 = arith.addf %scan3A_221, %bitcast3A_230 : vector<16xf32>
        %shift_left3A = arith.constant 16 : i32
        %shift_left3A_232 = vector.broadcast %shift_left3A : i32 to vector<16xi32>
        %shift_left3A_233 = arith.shli %bitcast3A, %shift_left3A_232 : vector<16xi32>
        %bitcast3A_234 = vector.bitcast %shift_left3A_233 : vector<16xi32> to vector<16xf32>
        %add3A_235 = arith.addf %scan3A_222, %bitcast3A_234 : vector<16xf32>
        %add3A_236 = arith.constant 1 : i32
        %add3A_237 = arith.addi %mul3A_224, %add3A_236 : i32
        %get3A_238 = arith.index_cast %add3A_237 : i32 to index
        %get3A_239 = arith.index_cast %mul3A_207 : i32 to index
        %get3A_240 = tpu.vector_load %arg6[%get3A_238, %get3A_239] {strides = array<i32>} : memref<200x128xi32, #tpu.memory_space<vmem>>, vector<16xi32>,
        %gather3A_241 = tpu.vector_load_idx %arg5[%get3A_240] : memref<18440xi32, #tpu.memory_space<vmem>>[vector<16xi32>], vector<16xi32>,
        %bitcast3A_242 = vector.bitcast %gather3A_241 : vector<16xi32> to vector<16xi32>
        %and3A_243 = arith.andi %bitcast3A_242, %broadcast_in_dim3A_192 : vector<16xi32>
        %bitcast3A_244 = vector.bitcast %and3A_243 : vector<16xi32> to vector<16xf32>
        %add3A_245 = arith.addf %add3A_231, %bitcast3A_244 : vector<16xf32>
        %shift_left3A_246 = arith.constant 16 : i32
        %shift_left3A_247 = vector.broadcast %shift_left3A_246 : i32 to vector<16xi32>
        %shift_left3A_248 = arith.shli %bitcast3A_242, %shift_left3A_247 : vector<16xi32>
        %bitcast3A_249 = vector.bitcast %shift_left3A_248 : vector<16xi32> to vector<16xf32>
        %add3A_250 = arith.addf %add3A_235, %bitcast3A_249 : vector<16xf32>
        %add3A_251 = arith.constant 2 : i32
        %add3A_252 = arith.addi %mul3A_224, %add3A_251 : i32
        %get3A_253 = arith.index_cast %add3A_252 : i32 to index
        %get3A_254 = arith.index_cast %mul3A_207 : i32 to index
        %get3A_255 = tpu.vector_load %arg6[%get3A_253, %get3A_254] {strides = array<i32>} : memref<200x128xi32, #tpu.memory_space<vmem>>, vector<16xi32>,
        %gather3A_256 = tpu.vector_load_idx %arg5[%get3A_255] : memref<18440xi32, #tpu.memory_space<vmem>>[vector<16xi32>], vector<16xi32>,
        %bitcast3A_257 = vector.bitcast %gather3A_256 : vector<16xi32> to vector<16xi32>
        %and3A_258 = arith.andi %bitcast3A_257, %broadcast_in_dim3A_192 : vector<16xi32>
        %bitcast3A_259 = vector.bitcast %and3A_258 : vector<16xi32> to vector<16xf32>
        %add3A_260 = arith.addf %add3A_245, %bitcast3A_259 : vector<16xf32>
        %shift_left3A_261 = arith.constant 16 : i32
        %shift_left3A_262 = vector.broadcast %shift_left3A_261 : i32 to vector<16xi32>
        %shift_left3A_263 = arith.shli %bitcast3A_257, %shift_left3A_262 : vector<16xi32>
        %bitcast3A_264 = vector.bitcast %shift_left3A_263 : vector<16xi32> to vector<16xf32>
        %add3A_265 = arith.addf %add3A_250, %bitcast3A_264 : vector<16xf32>
        %add3A_266 = arith.constant 3 : i32
        %add3A_267 = arith.addi %mul3A_224, %add3A_266 : i32
        %get3A_268 = arith.index_cast %add3A_267 : i32 to index
        %get3A_269 = arith.index_cast %mul3A_207 : i32 to index
        %get3A_270 = tpu.vector_load %arg6[%get3A_268, %get3A_269] {strides = array<i32>} : memref<200x128xi32, #tpu.memory_space<vmem>>, vector<16xi32>,
        %gather3A_271 = tpu.vector_load_idx %arg5[%get3A_270] : memref<18440xi32, #tpu.memory_space<vmem>>[vector<16xi32>], vector<16xi32>,
        %bitcast3A_272 = vector.bitcast %gather3A_271 : vector<16xi32> to vector<16xi32>
        %and3A_273 = arith.andi %bitcast3A_272, %broadcast_in_dim3A_192 : vector<16xi32>
        %bitcast3A_274 = vector.bitcast %and3A_273 : vector<16xi32> to vector<16xf32>
        %add3A_275 = arith.addf %add3A_260, %bitcast3A_274 : vector<16xf32>
        %shift_left3A_276 = arith.constant 16 : i32
        %shift_left3A_277 = vector.broadcast %shift_left3A_276 : i32 to vector<16xi32>
        %shift_left3A_278 = arith.shli %bitcast3A_272, %shift_left3A_277 : vector<16xi32>
        %bitcast3A_279 = vector.bitcast %shift_left3A_278 : vector<16xi32> to vector<16xf32>
        %add3A_280 = arith.addf %add3A_265, %bitcast3A_279 : vector<16xf32>
        %add3A_281 = arith.constant 4 : i32
        %add3A_282 = arith.addi %mul3A_224, %add3A_281 : i32
        %get3A_283 = arith.index_cast %add3A_282 : i32 to index
        %get3A_284 = arith.index_cast %mul3A_207 : i32 to index
        %get3A_285 = tpu.vector_load %arg6[%get3A_283, %get3A_284] {strides = array<i32>} : memref<200x128xi32, #tpu.memory_space<vmem>>, vector<16xi32>,
        %gather3A_286 = tpu.vector_load_idx %arg5[%get3A_285] : memref<18440xi32, #tpu.memory_space<vmem>>[vector<16xi32>], vector<16xi32>,
        %bitcast3A_287 = vector.bitcast %gather3A_286 : vector<16xi32> to vector<16xi32>
        %and3A_288 = arith.andi %bitcast3A_287, %broadcast_in_dim3A_192 : vector<16xi32>
        %bitcast3A_289 = vector.bitcast %and3A_288 : vector<16xi32> to vector<16xf32>
        %add3A_290 = arith.addf %add3A_275, %bitcast3A_289 : vector<16xf32>
        %shift_left3A_291 = arith.constant 16 : i32
        %shift_left3A_292 = vector.broadcast %shift_left3A_291 : i32 to vector<16xi32>
        %shift_left3A_293 = arith.shli %bitcast3A_287, %shift_left3A_292 : vector<16xi32>
        %bitcast3A_294 = vector.bitcast %shift_left3A_293 : vector<16xi32> to vector<16xf32>
        %add3A_295 = arith.addf %add3A_280, %bitcast3A_294 : vector<16xf32>
        %add3A_296 = arith.constant 5 : i32
        %add3A_297 = arith.addi %mul3A_224, %add3A_296 : i32
        %get3A_298 = arith.index_cast %add3A_297 : i32 to index
        %get3A_299 = arith.index_cast %mul3A_207 : i32 to index
        %get3A_300 = tpu.vector_load %arg6[%get3A_298, %get3A_299] {strides = array<i32>} : memref<200x128xi32, #tpu.memory_space<vmem>>, vector<16xi32>,
        %gather3A_301 = tpu.vector_load_idx %arg5[%get3A_300] : memref<18440xi32, #tpu.memory_space<vmem>>[vector<16xi32>], vector<16xi32>,
        %bitcast3A_302 = vector.bitcast %gather3A_301 : vector<16xi32> to vector<16xi32>
        %and3A_303 = arith.andi %bitcast3A_302, %broadcast_in_dim3A_192 : vector<16xi32>
        %bitcast3A_304 = vector.bitcast %and3A_303 : vector<16xi32> to vector<16xf32>
        %add3A_305 = arith.addf %add3A_290, %bitcast3A_304 : vector<16xf32>
        %shift_left3A_306 = arith.constant 16 : i32
        %shift_left3A_307 = vector.broadcast %shift_left3A_306 : i32 to vector<16xi32>
        %shift_left3A_308 = arith.shli %bitcast3A_302, %shift_left3A_307 : vector<16xi32>
        %bitcast3A_309 = vector.bitcast %shift_left3A_308 : vector<16xi32> to vector<16xf32>
        %add3A_310 = arith.addf %add3A_295, %bitcast3A_309 : vector<16xf32>
        %add3A_311 = arith.constant 6 : i32
        %add3A_312 = arith.addi %mul3A_224, %add3A_311 : i32
        %get3A_313 = arith.index_cast %add3A_312 : i32 to index
        %get3A_314 = arith.index_cast %mul3A_207 : i32 to index
        %get3A_315 = tpu.vector_load %arg6[%get3A_313, %get3A_314] {strides = array<i32>} : memref<200x128xi32, #tpu.memory_space<vmem>>, vector<16xi32>,
        %gather3A_316 = tpu.vector_load_idx %arg5[%get3A_315] : memref<18440xi32, #tpu.memory_space<vmem>>[vector<16xi32>], vector<16xi32>,
        %bitcast3A_317 = vector.bitcast %gather3A_316 : vector<16xi32> to vector<16xi32>
        %and3A_318 = arith.andi %bitcast3A_317, %broadcast_in_dim3A_192 : vector<16xi32>
        %bitcast3A_319 = vector.bitcast %and3A_318 : vector<16xi32> to vector<16xf32>
        %add3A_320 = arith.addf %add3A_305, %bitcast3A_319 : vector<16xf32>
        %shift_left3A_321 = arith.constant 16 : i32
        %shift_left3A_322 = vector.broadcast %shift_left3A_321 : i32 to vector<16xi32>
        %shift_left3A_323 = arith.shli %bitcast3A_317, %shift_left3A_322 : vector<16xi32>
        %bitcast3A_324 = vector.bitcast %shift_left3A_323 : vector<16xi32> to vector<16xf32>
        %add3A_325 = arith.addf %add3A_310, %bitcast3A_324 : vector<16xf32>
        %add3A_326 = arith.constant 7 : i32
        %add3A_327 = arith.addi %mul3A_224, %add3A_326 : i32
        %get3A_328 = arith.index_cast %add3A_327 : i32 to index
        %get3A_329 = arith.index_cast %mul3A_207 : i32 to index
        %get3A_330 = tpu.vector_load %arg6[%get3A_328, %get3A_329] {strides = array<i32>} : memref<200x128xi32, #tpu.memory_space<vmem>>, vector<16xi32>,
        %gather3A_331 = tpu.vector_load_idx %arg5[%get3A_330] : memref<18440xi32, #tpu.memory_space<vmem>>[vector<16xi32>], vector<16xi32>,
        %bitcast3A_332 = vector.bitcast %gather3A_331 : vector<16xi32> to vector<16xi32>
        %and3A_333 = arith.andi %bitcast3A_332, %broadcast_in_dim3A_192 : vector<16xi32>
        %bitcast3A_334 = vector.bitcast %and3A_333 : vector<16xi32> to vector<16xf32>
        %add3A_335 = arith.addf %add3A_320, %bitcast3A_334 : vector<16xf32>
        %shift_left3A_336 = arith.constant 16 : i32
        %shift_left3A_337 = vector.broadcast %shift_left3A_336 : i32 to vector<16xi32>
        %shift_left3A_338 = arith.shli %bitcast3A_332, %shift_left3A_337 : vector<16xi32>
        %bitcast3A_339 = vector.bitcast %shift_left3A_338 : vector<16xi32> to vector<16xf32>
        %add3A_340 = arith.addf %add3A_325, %bitcast3A_339 : vector<16xf32>
        scf.yield %add3A_335, %add3A_340 : vector<16xf32>, vector<16xf32>
      }
      %scan3A_213 = arith.constant 25 : i32
      %swap3A = arith.index_cast %mul3A_207 : i32 to index
      %swap3A_214 = tpu.vector_load %arg7[%swap3A] {strides = array<i32>} : memref<256xf32, #tpu.memory_space<vmem>>, vector<16xf32>,
      tpu.vector_store %arg7[%swap3A], %scan3A_212#0 {strides = array<i32>} : memref<256xf32, #tpu.memory_space<vmem>>, vector<16xf32>,
      %add3A_215 = arith.constant 128 : i32
      %add3A_216 = arith.addi %add3A_215, %mul3A_207 : i32
      %swap3A_217 = arith.index_cast %add3A_216 : i32 to index
      %swap3A_218 = tpu.vector_load %arg7[%swap3A_217] {strides = array<i32>} : memref<256xf32, #tpu.memory_space<vmem>>, vector<16xf32>,
      tpu.vector_store %arg7[%swap3A_217], %scan3A_212#1 {strides = array<i32>} : memref<256xf32, #tpu.memory_space<vmem>>, vector<16xf32>,
      %scan3A_219 = arith.constant 0 : i32
      scf.yield %scan3A_219 : i32
    }
    %scan3A_198 = arith.constant 8 : i32
    %mul3A_199 = arith.constant 128 : i32
    %mul3A_200 = arith.muli %add3A, %mul3A_199 : i32
    %run_scoped3A = arith.constant 0 : i32
    "tpu.region"() ({
      %run_scoped3A_204 = tpu.sem_alloc : memref<!tpu.dma_semaphore, #tpu.memory_space<semaphore_mem>>
      %dma_start3A_205 = arith.constant 0 : i32
      %dma_start3A_206 = tpu.memref_slice %arg7[%dma_start3A_205] : memref<256xf32, #tpu.memory_space<vmem>> -> memref<128xf32, #tpu.memory_space<vmem>>
      %dma_start3A_207 = tpu.memref_slice %arg4[%run_scoped3A, %mul3A_200] : memref<2x4096xf32, #tpu.memory_space<hbm>> -> memref<1x128xf32, #tpu.memory_space<hbm>>
      %dma_start3A_208 = tpu.memref_squeeze %dma_start3A_207 : memref<1x128xf32, #tpu.memory_space<hbm>> -> memref<128xf32, #tpu.memory_space<hbm>>
      %dma_start3A_209 = tpu.memref_slice %arg4[%run_scoped3A, %mul3A_200] : memref<2x4096xf32, #tpu.memory_space<hbm>> -> memref<1x128xf32, #tpu.memory_space<hbm>>
      %dma_start3A_210 = tpu.memref_squeeze %dma_start3A_209 : memref<1x128xf32, #tpu.memory_space<hbm>> -> memref<128xf32, #tpu.memory_space<hbm>>
      %dma_start3A_211 = arith.constant 0 : i32
      %dma_start3A_212 = tpu.memref_slice %arg7[%dma_start3A_211] : memref<256xf32, #tpu.memory_space<vmem>> -> memref<128xf32, #tpu.memory_space<vmem>>
      tpu.enqueue_dma source(%dma_start3A_212 : memref<128xf32, #tpu.memory_space<vmem>>) target(%dma_start3A_210 : memref<128xf32, #tpu.memory_space<hbm>>) target_semaphore(%run_scoped3A_204 : memref<!tpu.dma_semaphore, #tpu.memory_space<semaphore_mem>>)
      %dma_wait3A_213 = arith.constant 0 : i32
      %dma_wait3A_214 = tpu.memref_slice %arg7[%dma_wait3A_213] : memref<256xf32, #tpu.memory_space<vmem>> -> memref<128xf32, #tpu.memory_space<vmem>>
      %dma_wait3A_215 = tpu.memref_slice %arg4[%run_scoped3A, %mul3A_200] : memref<2x4096xf32, #tpu.memory_space<hbm>> -> memref<1x128xf32, #tpu.memory_space<hbm>>
      %dma_wait3A_216 = tpu.memref_squeeze %dma_wait3A_215 : memref<1x128xf32, #tpu.memory_space<hbm>> -> memref<128xf32, #tpu.memory_space<hbm>>
      %dma_wait3A_217 = tpu.memref_slice %arg4[%run_scoped3A, %mul3A_200] : memref<2x4096xf32, #tpu.memory_space<hbm>> -> memref<1x128xf32, #tpu.memory_space<hbm>>
      %dma_wait3A_218 = tpu.memref_squeeze %dma_wait3A_217 : memref<1x128xf32, #tpu.memory_space<hbm>> -> memref<128xf32, #tpu.memory_space<hbm>>
      %dma_wait3A_219 = arith.constant 0 : i32
      %dma_wait3A_220 = tpu.memref_slice %arg7[%dma_wait3A_219] : memref<256xf32, #tpu.memory_space<vmem>> -> memref<128xf32, #tpu.memory_space<vmem>>
      tpu.wait_dma2 semaphore(%run_scoped3A_204 : memref<!tpu.dma_semaphore, #tpu.memory_space<semaphore_mem>>) src(%dma_wait3A_220 : memref<128xf32, #tpu.memory_space<vmem>>) dst(%dma_wait3A_218 : memref<128xf32, #tpu.memory_space<hbm>>)
      tpu.yield
    }) : () -> ()
    %mul3A_201 = arith.constant 128 : i32
    %mul3A_202 = arith.muli %add3A, %mul3A_201 : i32
    %run_scoped3A_203 = arith.constant 1 : i32
    "tpu.region"() ({
      %run_scoped3A_204 = tpu.sem_alloc : memref<!tpu.dma_semaphore, #tpu.memory_space<semaphore_mem>>
      %dma_start3A_205 = arith.constant 128 : i32
      %dma_start3A_206 = tpu.memref_slice %arg7[%dma_start3A_205] : memref<256xf32, #tpu.memory_space<vmem>> -> memref<128xf32, #tpu.memory_space<vmem>>
      %dma_start3A_207 = tpu.memref_slice %arg4[%run_scoped3A_203, %mul3A_202] : memref<2x4096xf32, #tpu.memory_space<hbm>> -> memref<1x128xf32, #tpu.memory_space<hbm>>
      %dma_start3A_208 = tpu.memref_squeeze %dma_start3A_207 : memref<1x128xf32, #tpu.memory_space<hbm>> -> memref<128xf32, #tpu.memory_space<hbm>>
      %dma_start3A_209 = tpu.memref_slice %arg4[%run_scoped3A_203, %mul3A_202] : memref<2x4096xf32, #tpu.memory_space<hbm>> -> memref<1x128xf32, #tpu.memory_space<hbm>>
      %dma_start3A_210 = tpu.memref_squeeze %dma_start3A_209 : memref<1x128xf32, #tpu.memory_space<hbm>> -> memref<128xf32, #tpu.memory_space<hbm>>
      %dma_start3A_211 = arith.constant 128 : i32
      %dma_start3A_212 = tpu.memref_slice %arg7[%dma_start3A_211] : memref<256xf32, #tpu.memory_space<vmem>> -> memref<128xf32, #tpu.memory_space<vmem>>
      tpu.enqueue_dma source(%dma_start3A_212 : memref<128xf32, #tpu.memory_space<vmem>>) target(%dma_start3A_210 : memref<128xf32, #tpu.memory_space<hbm>>) target_semaphore(%run_scoped3A_204 : memref<!tpu.dma_semaphore, #tpu.memory_space<semaphore_mem>>)
      %dma_wait3A_213 = arith.constant 128 : i32
      %dma_wait3A_214 = tpu.memref_slice %arg7[%dma_wait3A_213] : memref<256xf32, #tpu.memory_space<vmem>> -> memref<128xf32, #tpu.memory_space<vmem>>
      %dma_wait3A_215 = tpu.memref_slice %arg4[%run_scoped3A_203, %mul3A_202] : memref<2x4096xf32, #tpu.memory_space<hbm>> -> memref<1x128xf32, #tpu.memory_space<hbm>>
      %dma_wait3A_216 = tpu.memref_squeeze %dma_wait3A_215 : memref<1x128xf32, #tpu.memory_space<hbm>> -> memref<128xf32, #tpu.memory_space<hbm>>
      %dma_wait3A_217 = tpu.memref_slice %arg4[%run_scoped3A_203, %mul3A_202] : memref<2x4096xf32, #tpu.memory_space<hbm>> -> memref<1x128xf32, #tpu.memory_space<hbm>>
      %dma_wait3A_218 = tpu.memref_squeeze %dma_wait3A_217 : memref<1x128xf32, #tpu.memory_space<hbm>> -> memref<128xf32, #tpu.memory_space<hbm>>
      %dma_wait3A_219 = arith.constant 128 : i32
      %dma_wait3A_220 = tpu.memref_slice %arg7[%dma_wait3A_219] : memref<256xf32, #tpu.memory_space<vmem>> -> memref<128xf32, #tpu.memory_space<vmem>>
      tpu.wait_dma2 semaphore(%run_scoped3A_204 : memref<!tpu.dma_semaphore, #tpu.memory_space<semaphore_mem>>) src(%dma_wait3A_220 : memref<128xf32, #tpu.memory_space<vmem>>) dst(%dma_wait3A_218 : memref<128xf32, #tpu.memory_space<hbm>>)
      tpu.yield
    }) : () -> ()
    return
  }
}

module attributes {stable_mosaic.version = 14 : i64} {
  func.func @_proj_body(%arg0: memref<100x18440xf32, #tpu.memory_space<vmem>>, %arg1: memref<100x2xf32, #tpu.memory_space<vmem>>, %arg2: memref<2x1xf32, #tpu.memory_space<vmem>>, %arg3: memref<1x18440xi32, #tpu.memory_space<vmem>>) attributes {dimension_semantics = [], scalar_prefetch = 0 : i64, scratch_operands = 0 : i64, tpu.core_type = #tpu.core_type<tc>} {
    %get3A = arith.constant 0 : index
    %get3A_0 = arith.constant 0 : index
    %get3A_1 = vector.load %arg0[%get3A, %get3A_0] : memref<100x18440xf32, #tpu.memory_space<vmem>>, vector<100x18440xf32>
    %get3A_2 = arith.constant 0 : index
    %get3A_3 = arith.constant 0 : index
    %get3A_4 = vector.load %arg1[%get3A_2, %get3A_3] : memref<100x2xf32, #tpu.memory_space<vmem>>, vector<100x2xf32>
    %dot_general3A = arith.constant dense<0.000000e+00> : vector<2x18440xf32>
    %dot_general3A_5 = tpu.matmul %get3A_4, %get3A_1, %dot_general3A {dimension_numbers = #tpu.dot_dimension_numbers<[0], [0], [1], [1], [0, 1, 1, 1], [], []>, transpose_lhs_hint = false} : vector<100x2xf32>, vector<100x18440xf32>, vector<2x18440xf32> -> vector<2x18440xf32>
    %get3A_6 = arith.constant 0 : index
    %get3A_7 = arith.constant 0 : index
    %get3A_8 = vector.load %arg2[%get3A_6, %get3A_7] : memref<2x1xf32, #tpu.memory_space<vmem>>, vector<2x1xf32>
    %add3A = vector.broadcast %get3A_8 : vector<2x1xf32> to vector<2x18440xf32>
    %add3A_9 = arith.addf %dot_general3A_5, %add3A : vector<2x18440xf32>
    %mul3A = arith.constant 5.000000e-03 : f32
    %mul3A_10 = vector.broadcast %mul3A : f32 to vector<2x18440xf32>
    %mul3A_11 = arith.mulf %add3A_9, %mul3A_10 : vector<2x18440xf32>
    %bitcast_convert_type3A = tpu.bitcast %mul3A_11 : vector<2x18440xf32> -> vector<2x18440xi32>
    %add3A_12 = arith.constant 32768 : i32
    %add3A_13 = vector.broadcast %add3A_12 : i32 to vector<2x18440xi32>
    %add3A_14 = arith.addi %bitcast_convert_type3A, %add3A_13 : vector<2x18440xi32>
    %and3A = arith.constant -65536 : i32
    %and3A_15 = vector.broadcast %and3A : i32 to vector<2x18440xi32>
    %and3A_16 = arith.andi %add3A_14, %and3A_15 : vector<2x18440xi32>
    %slice3A = vector.extract_strided_slice %and3A_16 {offsets = [0, 0], sizes = [1, 18440], strides = [1, 1]} : vector<2x18440xi32> to vector<1x18440xi32>
    %slice3A_17 = vector.extract_strided_slice %and3A_16 {offsets = [1, 0], sizes = [1, 18440], strides = [1, 1]} : vector<2x18440xi32> to vector<1x18440xi32>
    %shift_right_logical3A = arith.constant 16 : i32
    %shift_right_logical3A_18 = vector.broadcast %shift_right_logical3A : i32 to vector<1x18440xi32>
    %shift_right_logical3A_19 = arith.shrui %slice3A_17, %shift_right_logical3A_18 : vector<1x18440xi32>
    %or3A = arith.ori %slice3A, %shift_right_logical3A_19 : vector<1x18440xi32>
    %bitcast_convert_type3A_20 = tpu.bitcast %or3A : vector<1x18440xi32> -> vector<1x18440xi32>
    %swap3A = arith.constant 0 : index
    %swap3A_21 = arith.constant 0 : index
    %swap3A_22 = vector.load %arg3[%swap3A, %swap3A_21] : memref<1x18440xi32, #tpu.memory_space<vmem>>, vector<1x18440xi32>
    tpu.vector_store %arg3[%swap3A, %swap3A_21], %bitcast_convert_type3A_20 {strides = array<i32>} : memref<1x18440xi32, #tpu.memory_space<vmem>>, vector<1x18440xi32>,
    return
  }
}

</mosaic_0001>

<sc_bundles>
// kernel: kernel.4.cloned.1.call-start
scs
__scs_entry_jumppad:
0x0: {  	(pc) =	sbr.rel $0x88, $3  }
0x1: {  	(tag) =	ssettag $0x0;
	lr =	simm.s32 $0x1  }
0x2: {  	[smem:$0x3F9D] =	sst lr;
	_ =	strace $0xD0000000  }
0x3: {  	_ = 	snop  }
0x4: {  	_ = 	snop  }
0x5: {  	_ = 	snop  }
0x6: {  	_ = 	snop  }
0x7: {  	_ = 	snop  }
__scs_overlays_trampoline_lowered:
0x8: {  	[smem:$0x3FAC] =	sst s0  }
0x9: {  	[smem:$0x3FAD] =	sst s1  }
0xa: {  	[smem:$0x3FAE] =	sst s2  }
0xb: {  	[smem:$0x3FAF] =	sst s3  }
0xc: {  	[smem:$0x3FB0] =	sst s4  }
0xd: {  	[smem:$0x3FB1] =	sst s5  }
0xe: {  	[smem:$0x3FB2] =	sst s6  }
0xf: {  	[smem:$0x3FB3] =	sst s7  }
0x10: {  	[smem:$0x3FB4] =	sst s8  }
0x11: {  	[smem:$0x3FB5] =	sst s9;
	s0 =	simm.s32 @!p0 $0x0  }
0x12: {  	s1 =	sld [smem:$0x3F9B];
	s0 =	simm.s32 @p0 $0x1  }
0x13: {  	[smem:$0x3FB6] =	sst s0;
	s0 =	simm.s32 @!p1 $0x0  }
0x14: {  	s2 =	sld [smem:$0x3F9A];
	s0 =	simm.s32 @p1 $0x1  }
0x15: {  	[smem:$0x3FB7] =	sst s0;
	s0 =	simm.s32 @!p2 $0x0  }
0x16: {  	s3 =	sld [smem:$0x3FDB];
	s0 =	simm.s32 @p2 $0x1  }
0x17: {  	s4 =	simm.s32 $0x1BF5;
	[smem:$0x3FB9] =	sst s0  }
0x18: {  	s0 =	sld [smem:$0x3F9C];
	_ =	swait.ge [sflag:s4], $0x0  }
0x19: {  	s7 =	sld [smem:$0x3F9D]  }
0x1a: {  	s8 =	sadd.s32 $0xFFFFE003, lr  }
0x1b: {  	s9 =	sadd.s32 $0xFFFFFEF7, lr;
	s5 =	simm.s32 $0xFFFFFFFF;
	p2 =	slt.u32 s8, $0xFFFFF086  }
0x1c: {  	p1 =	slt.u32 s9, $0xF7A;
	s5 =	simm.s32 @!p2 $0x0  }
0x1d: {  	s5 =	simm.s32 @p1 $0x1;
	p0 =	seq.s32 s7, s2  }
0x1e: {  	s7 =	smul.u32 @!p0 $0xF7A, s2;
	p2 =	seq.s32 @!p0 s5, $0x0  }
0x1f: {  	s9 =	smul.u32 $0xF7A, s1;
	s8 =	simm.s32 @!p0 $0x1BF5;
	p2 =	por !p2, p0  }
0x20: {  	[sflag:s8] =	ssyncset.s32 @!p0 $0xFFFFF086;
	s6 =	sadd.s32 @!p0 s3, s7;
	s7 =	simm.s32 @!p0 $0x108  }
0x21: {  	s3 =	sadd.s32 s3, s9;
	s6 =	sadd.s32 @!p0 $0x88, s6;
	s7 =	simm.s32 @p2 $0x1082  }
0x22: {  	[simem:s7], [sflag:s8] =	dma.local @!p0 [hbm:s6], $0xF7A  }
0x23: {  	s9 =	sor.u32 $0xD0000000, s2;
	s6 =	simm.s32 $0x108;
	_ =	swait.ge @!p0 [sflag:s8], $0x0  }
0x24: {  	s3 =	sadd.s32 $0x88, s3;
	s6 =	simm.s32 @!p1 $0x1082;
	[sflag:s4] =	ssyncset.s32 $0xFFFFF086  }
0x25: {  	[simem:s6], [sflag:s4] =	dma.local [hbm:s3], $0xF7A  }
0x26: {  	[smem:$0x3F9D] =	sst s1;
	(tag) =	ssettag s2;
	_ =	strace s9  }
0x27: {  	s1 =	sld [smem:$0x3FAD]  }
0x28: {  	s2 =	sld [smem:$0x3FAE]  }
0x29: {  	s4 =	sld [smem:$0x3FB0]  }
0x2a: {  	p0 =	seq.s32 s5, $0x0;
	s5 =	sld [smem:$0x3FB1]  }
0x2b: {  	s6 =	sld [smem:$0x3FB2]  }
0x2c: {  	s7 =	sld [smem:$0x3FB3]  }
0x2d: {  	s3 =	simm.s32 $0x108;
	s8 =	sld [smem:$0x3FB4]  }
0x2e: {  	s3 =	simm.s32 @!p0 $0x1082;
	s9 =	sld [smem:$0x3FB5]  }
0x2f: {  	lr =	sadd.s32 s0, s3;
	s0 =	sld [smem:$0x3FAC]  }
0x30: {  	s3 =	sld [smem:$0x3FAF]  }
0x31: {  	[smem:$0x3FB8] =	sst s10  }
0x32: {  	s10 =	sld [smem:$0x3FB6];
	_ =	sdelay $0x3  }
0x33: {  	p0 =	seq.s32 s10, $0x1;
	s10 =	sld [smem:$0x3FB8];
	_ =	sdelay $0x3  }
0x34: {  	[smem:$0x3FB8] =	sst s10  }
0x35: {  	s10 =	sld [smem:$0x3FB7];
	_ =	sdelay $0x3  }
0x36: {  	p1 =	seq.s32 s10, $0x1;
	s10 =	sld [smem:$0x3FB8];
	_ =	sdelay $0x3  }
0x37: {  	[smem:$0x3FB8] =	sst s10  }
0x38: {  	s10 =	sld [smem:$0x3FB9]  }
0x39: {  	_ = 	snop;
	(pc) =	sbr.ind lr, $3  }
0x3a: {  	_ = 	snop  }
0x3b: {  	_ = 	snop  }
0x3c: {  	p2 =	seq.s32 s10, $0x1;
	s10 =	sld [smem:$0x3FB8]  }
0x3d: {  	_ =	shalt  }
0x3e: {  	_ =	shalt  }
0x3f: {  	_ =	shalt  }
0x40: {  	_ =	shalt  }
0x41: {  	_ =	shalt  }
0x42: {  	_ =	shalt  }
0x43: {  	_ =	shalt  }
0x44: {  	_ =	shalt  }
0x45: {  	_ =	shalt  }
0x46: {  	_ =	shalt  }
0x47: {  	_ =	shalt  }
0x48: {  	_ =	shalt  }
0x49: {  	_ =	shalt  }
0x4a: {  	_ =	shalt  }
0x4b: {  	_ =	shalt  }
0x4c: {  	_ =	shalt  }
0x4d: {  	_ =	shalt  }
0x4e: {  	_ =	shalt  }
0x4f: {  	_ =	shalt  }
0x50: {  	_ =	shalt  }
0x51: {  	_ =	shalt  }
0x52: {  	_ =	shalt  }
0x53: {  	_ =	shalt  }
0x54: {  	_ =	shalt  }
0x55: {  	_ =	shalt  }
0x56: {  	_ =	shalt  }
0x57: {  	_ =	shalt  }
0x58: {  	_ =	shalt  }
0x59: {  	_ =	shalt  }
0x5a: {  	_ =	shalt  }
0x5b: {  	_ =	shalt  }
0x5c: {  	_ =	shalt  }
0x5d: {  	_ =	shalt  }
0x5e: {  	_ =	shalt  }
0x5f: {  	_ =	shalt  }
0x60: {  	_ =	shalt  }
0x61: {  	_ =	shalt  }
0x62: {  	_ =	shalt  }
0x63: {  	_ =	shalt  }
0x64: {  	_ =	shalt  }
0x65: {  	_ =	shalt  }
0x66: {  	_ =	shalt  }
0x67: {  	_ =	shalt  }
0x68: {  	_ =	shalt  }
0x69: {  	_ =	shalt  }
0x6a: {  	_ =	shalt  }
0x6b: {  	_ =	shalt  }
0x6c: {  	_ =	shalt  }
0x6d: {  	_ =	shalt  }
0x6e: {  	_ =	shalt  }
0x6f: {  	_ =	shalt  }
0x70: {  	_ =	shalt  }
0x71: {  	_ =	shalt  }
0x72: {  	_ =	shalt  }
0x73: {  	_ =	shalt  }
0x74: {  	_ =	shalt  }
0x75: {  	_ =	shalt  }
0x76: {  	_ =	shalt  }
0x77: {  	_ =	shalt  }
0x78: {  	_ =	shalt  }
0x79: {  	_ =	shalt  }
0x7a: {  	_ =	shalt  }
0x7b: {  	_ =	shalt  }
0x7c: {  	_ =	shalt  }
0x7d: {  	_ =	shalt  }
0x7e: {  	_ =	shalt  }
0x7f: {  	_ =	shalt  }
0x80: {  	_ =	shalt  }
0x81: {  	_ =	shalt  }
0x82: {  	_ =	shalt  }
0x83: {  	_ =	shalt  }
0x84: {  	_ =	shalt  }
0x85: {  	_ =	shalt  }
0x86: {  	_ =	shalt  }
0x87: {  	_ =	shalt  }
.Lfunc_end0:
.L_simem_size_0:
called_computation_lowered:
.L_overlay_start_0:
0x88: {  	s2 =	sld [smem:$0x3FD9]  }
0x89: {  	s3 =	sld [smem:$0x3FFE];
	_ =	sdelay $0x1  }
0x8a: {  	s1 =	srdreg.scid  }
0x8b: {  	s0 =	sand.u32 $0x1, s1  }
0x8c: {  	s17 =	sshll.u32 s0, $0xA;
	s2 =	sadd.s32 s3, s2  }
0x8d: {  	s2 =	sadd.s32 s2, s17  }
0x8e: {  	[smem:$0x3FC4] =	sst s2  }
0x8f: {  	_ = 	snop  }
0x90: {  	s2 =	sld [smem:$0x3FC9]  }
0x91: {  	s18 =	sld [smem:$0x3FD0];
	(tm) =	ssettm $0x1  }
0x92: {  	s4 =	sld [smem:$0x3FFB];
	_ =	sdelay $0x3  }
0x93: {  	_ =	strace s4  }
0x94: {  	s4 =	sld [smem:$0x3FFC];
	_ =	sdelay $0x3  }
0x95: {  	_ =	strace s4  }
0x96: {  	s4 =	sld [smem:$0x3FFD];
	_ =	sdelay $0x3  }
0x97: {  	_ =	strace s4  }
0x98: {  	_ =	strace $0x8FFFFFFF  }
0x99: {  	s19 =	sld [smem:$0x3FDB];
	_ =	sdelay $0x1  }
0x9a: {  	s5 =	simm.s32 $_scs_section_size  }
0x9b: {  	s6 =	simm.s32 $_size__tile_overlayer_lowered;
	s7 =	simm.s32 $_tile_overlayer_lowered  }
0x9c: {  	s22 =	simm.s32 $0x1BFF;
	s21 =	sshll.u32 s7, $0x1;
	s4 =	sadd.s32 s5, s19  }
0x9d: {  	s8 =	simm.s32 $0x0;
	s20 =	sshll.u32 s6, $0x1;
	s6 =	sadd.s32 s21, s4  }
0x9e: {  	[timem:s8], [sflag:s22] =	dma.local [hbm:s6], s20  }
0x9f: {  	_ =	swait.ge [sflag:s22], s20  }
0xa0: {  	s5 =	ssub.s32 $0x0, s20;
	[sflag:s22] =	ssyncset.done $0x0  }
0xa1: {  	[sflag:s22] =	ssyncadd.s32 s5;
	_ =	sdelay $0x1  }
0xa2: {  	s23 =	simm.s32 $0x1B8B  }
0xa3: {  	_ =	swait.ge [sflag:s23], $0x1  }
0xa4: {  	[sflag:s23] =	ssyncset.done $0x0  }
0xa5: {  	s25 =	simm.s32 $0x1B8E;
	s24 =	sld [smem:$0x3FFE];
	[sflag:s23] =	ssyncadd.s32 $0xFFFFFFFF  }
0xa6: {  	s26 =	simm.s32 $execute0_lowered;
	[smem:$0x3FD2] =	sst s25  }
0xa7: {  	s6 =	sshll.u32 s26, $0x1;
	_ =	strace $0x80000046;
	[dreg:$0x1] =	wrdreg $0xFFFFFFFF  }
0xa8: {  	s28 =	simm.s32 $_size_execute0_lowered;
	s4 =	sadd.s32 s4, s6;
	[dreg:$0x0] =	wrdreg $0x0  }
0xa9: {  	s6 =	sshll.u32 s28, $0x1;
	[dreg:$0x2] =	wrdreg s4  }
0xaa: {  	[dreg:$0x3] =	wrdreg s6  }
0xab: {  	[dreg:$0x4] =	wrdreg $0xC0  }
0xac: {  	_ =	task [dreg:s8], $0x5FFFF  }
0xad: {  	[dreg:$0x1] =	wrdreg $0xFFFFFFFF  }
0xae: {  	[dreg:$0x0] =	wrdreg $0x60  }
0xaf: {  	[dreg:$0x2] =	wrdreg s24  }
0xb0: {  	[dreg:$0x3] =	wrdreg s2  }
0xb1: {  	[dreg:$0x4] =	wrdreg s18  }
0xb2: {  	[dreg:$0x5] =	wrdreg $0x9  }
0xb3: {  	_ =	task.clear_ibuf [dreg:s8], $0x6FFFF;
	_ =	strace $0x90000046  }
0xb4: {  	s29 =	simm.s32 $0x9;
	_ =	strace $0x80000048  }
0xb5: {  	_ =	swait.ge [sflag:s29], $0x1  }
0xb6: {  	[sflag:s29] =	ssyncadd.s32 $0xFFFFFFFF  }
0xb7: {  	_ =	strace $0x90000048  }
0xb8: {  	_ =	sfence  }
0xb9: {  	s30 =	sld [smem:$0x0];
	_ =	sdelay $0x2  }
0xba: {  	s31 =	sshll.u32 s1, $0xD;
	s1 =	sshrl.u32 s1, $0x2  }
0xbb: {  	s3 =	sand.u32 $0x4000, s31;
	s1 =	sadd.s32 s1, s30  }
0xbc: {  	s0 =	sor.u32 s3, s0;
	s1 =	sshll.u32 s1, $0x11  }
0xbd: {  	s0 =	sor.u32 s1, s0  }
0xbe: {  	s0 =	sadd.s32 $0x8F2B, s0  }
0xbf: {  	[sflag:s0] =	ssyncadd.remote.s32 $0x1  }
0xc0: {  	_ =	sfence.sel $0xFFFF  }
0xc1: {  	[dreg:$0x0] =	wrdreg $0xFFFFFFFF;
	(pc) =	sbr.abs _section_cstart, $3  }
0xc2: {  	[dreg:$0x1] =	wrdreg $0xFFFFFFFF  }
0xc3: {  	_ =	task.clear_ibuf [dreg:s8], $0x2FFFF;
	_ =	strace $0x9FFFFFFF  }
0xc4: {  	(tm) =	ssettm $0x7FFFFFFF  }
0xc5: {  	_ =	shalt  }
tec
execute0_lowered:
.L_overlay_start_1:
0x0: {  	(tag) =	ssettag $0x1  }
0x1: {  	s0 =	rddreg [dreg:$0x0]  }
0x2: {  	s1 =	rddreg [dreg:$0x1]  }
0x3: {  	s21 =	rddreg [dreg:$0x2];
	s3 =	srdreg.scid  }
0x4: {  	s5 =	stileid.u32;
	s2 =	simm.s32 $0x0;
	s29 =	simm.s32 $0x1  }
0x5: {  	s30 =	simm.s32 $0x2;
	s4 =	sand.u32 $0x1, s3;
	s20 =	sshll.u32 s5, $0x1  }
0x6: {  	[smem:$0x7FF] =	sst s2;
	s18 =	sadd.s32 $0x800, s0;
	s19 =	sor.u32 s4, s20  }
0x7: {  	s7 =	ssub.s32 $0x2, s4;
	_ =	strace $0x80000047;
	s10 =	sand.u32 $0x7, s19  }
0x8: {  	s22 =	sadd.s32 $0x1, s19;
	s6 =	sadd.s32 $0x2, s19;
	s24 =	sshrl.u32 s7, $0x1  }
0x9: {  	s9 =	sadd.s32 $0x3, s19;
	s11 =	sadd.s32 $0x5, s19;
	s12 =	sadd.s32 $0x6, s19  }
0xa: {  	s13 =	sadd.s32 $0xFFFFFFFF, s19;
	s3 =	smul.u32 $0x900, s10;
	s5 =	sand.u32 $0x7, s22  }
0xb: {  	s31 =	sshll.u32 s19, $0x7;
	s23 =	sand.u32 $0x7, s6;
	s4 =	smul.u32 $0x900, s5  }
0xc: {  	s9 =	sand.u32 $0x7, s9;
	s10 =	sxor.u32 $0x4, s10;
	s5 =	smul.u32 $0x900, s23  }
0xd: {  	s11 =	sand.u32 $0x7, s11;
	s12 =	sand.u32 $0x7, s12;
	s9 =	smul.u32 $0x900, s9  }
0xe: {  	s15 =	sand.u32 $0x7, s13;
	s22 =	sshll.u32 s19, $0x5;
	s10 =	smul.u32 $0x900, s10  }
0xf: {  	s19 =	sadd.s32 $0x1100, s0;
	s0 =	simm.s32 $0x3;
	s11 =	smul.u32 $0x900, s11  }
0x10: {  	s23 =	ssub.s32 s7, s24;
	s12 =	smul.u32 $0x900, s12;
	s21 =	sadd.s32 s21, s22  }
0x11: {  	s24 =	simm.s32 $0x0;
	s8 =	sshrl.u32 s3, $0x3;
	s22 =	sadd.s32 $0x10, s21  }
0x12: {  	s23 =	smax.u32 s23, $0x1;
	s6 =	sadd.s32 s18, s8;
	s25 =	sshrl.u32 s4, $0x3  }
0x13: {  	s26 =	sshrl.u32 s5, $0x3;
	s14 =	sshrl.u32 s9, $0x3;
	s16 =	sshrl.u32 s10, $0x3  }
0x14: {  	s28 =	sshrl.u32 s11, $0x3;
	s13 =	sadd.s32 s18, s14;
	s14 =	smul.u32 $0x900, s15  }
0x15: {  	s17 =	sshrl.u32 s12, $0x3;
	s7 =	sadd.s32 s18, s25;
	s8 =	sadd.s32 s18, s26  }
0x16: {  	s15 =	sadd.s32 s18, s16;
	s16 =	sadd.s32 s18, s28;
	s20 =	sshrl.u32 s14, $0x3  }
0x17: {  	s17 =	sadd.s32 s18, s17;
	s18 =	sadd.s32 s18, s20;
	s20 =	sadd.s32 s1, s31  }
.LBB2_1:
0x18: {  	[tilespmem:s3], [sflag:$0x1] =	stream.linear.gather [hbm4b:s6+s2], $0x900, $0x38;
	[tilespmem:$0xAD80] =	vst v63  }
0x19: {  	_ = 	snop  }
0x1a: {  	[tilespmem:s4], [sflag:$0x1] =	stream.linear.gather [hbm4b:s7+s2], $0x900, $0x38;
	[tilespmem:$0xAD80] =	vst v63  }
0x1b: {  	_ = 	snop  }
0x1c: {  	[tilespmem:s5], [sflag:$0x1] =	stream.linear.gather [hbm4b:s8+s2], $0x900, $0x38;
	[tilespmem:$0xAD80] =	vst v63  }
0x1d: {  	_ = 	snop  }
0x1e: {  	[tilespmem:s9], [sflag:$0x1] =	stream.linear.gather [hbm4b:s13+s2], $0x900, $0x38;
	[tilespmem:$0xAD80] =	vst v63  }
0x1f: {  	_ = 	snop  }
0x20: {  	[tilespmem:s10], [sflag:$0x1] =	stream.linear.gather [hbm4b:s15+s2], $0x900, $0x38;
	[tilespmem:$0xAD80] =	vst v63  }
0x21: {  	_ = 	snop  }
0x22: {  	[tilespmem:s11], [sflag:$0x1] =	stream.linear.gather [hbm4b:s16+s2], $0x900, $0x38;
	[tilespmem:$0xAD80] =	vst v63  }
0x23: {  	_ = 	snop  }
0x24: {  	[tilespmem:s12], [sflag:$0x1] =	stream.linear.gather [hbm4b:s17+s2], $0x900, $0x38;
	[tilespmem:$0xAD80] =	vst v63  }
0x25: {  	_ = 	snop  }
0x26: {  	[tilespmem:s14], [sflag:$0x1] =	stream.linear.gather [hbm4b:s18+s2], $0x900, $0x38;
	[tilespmem:$0xAD80] =	vst v63  }
0x27: {  	s1 =	simm.s32 $0x4800  }
0x28: {  	[tilespmem:s1], [sflag:$0x1] =	stream.linear.gather [hbm4b:s19+s2], $0x8, $0x38;
	[tilespmem:$0xAD80] =	vst v63  }
0x29: {  	s31 =	simm.s32 $0x400;
	s25 =	simm.s32 $0x8000;
	s26 =	simm.s32 $0x4880  }
0x2a: {  	[tilespmem:s26], [sflag:$0x2] =	stream.strided.gather [hbm4b:s20+s31], $0x6400, s25, s31, $0x38;
	[tilespmem:$0xAD80] =	vst v63  }
0x2b: {  	_ =	swait.ge [sflag:s29], $0x900  }
0x2c: {  	[sflag:s29] =	ssyncset.done $0x0  }
0x2d: {  	[sflag:s29] =	ssyncadd.s32 $0xFFFFF700  }
0x2e: {  	_ =	swait.ge [sflag:s29], $0x900  }
0x2f: {  	[sflag:s29] =	ssyncset.done $0x0  }
0x30: {  	[sflag:s29] =	ssyncadd.s32 $0xFFFFF700  }
0x31: {  	_ =	swait.ge [sflag:s29], $0x900  }
0x32: {  	[sflag:s29] =	ssyncset.done $0x0  }
0x33: {  	[sflag:s29] =	ssyncadd.s32 $0xFFFFF700  }
0x34: {  	_ =	swait.ge [sflag:s29], $0x900  }
0x35: {  	[sflag:s29] =	ssyncset.done $0x0  }
0x36: {  	[sflag:s29] =	ssyncadd.s32 $0xFFFFF700  }
0x37: {  	_ =	swait.ge [sflag:s29], $0x900  }
0x38: {  	[sflag:s29] =	ssyncset.done $0x0  }
0x39: {  	[sflag:s29] =	ssyncadd.s32 $0xFFFFF700  }
0x3a: {  	_ =	swait.ge [sflag:s29], $0x900  }
0x3b: {  	[sflag:s29] =	ssyncset.done $0x0  }
0x3c: {  	[sflag:s29] =	ssyncadd.s32 $0xFFFFF700  }
0x3d: {  	_ =	swait.ge [sflag:s29], $0x900  }
0x3e: {  	[sflag:s29] =	ssyncset.done $0x0  }
0x3f: {  	[sflag:s29] =	ssyncadd.s32 $0xFFFFF700  }
0x40: {  	_ =	swait.ge [sflag:s29], $0x900  }
0x41: {  	[sflag:s29] =	ssyncset.done $0x0  }
0x42: {  	[sflag:s29] =	ssyncadd.s32 $0xFFFFF700  }
0x43: {  	_ =	swait.ge [sflag:s29], $0x8  }
0x44: {  	[sflag:s29] =	ssyncset.done $0x0  }
0x45: {  	[sflag:s29] =	ssyncadd.s32 $0xFFFFFFF8  }
0x46: {  	_ =	swait.ge [sflag:s30], $0x6400  }
0x47: {  	[sflag:s30] =	ssyncset.done $0x0  }
0x48: {  	s25 =	simm.s32 $0x4A80;
	s26 =	simm.s32 $0x0;
	[sflag:s30] =	ssyncadd.s32 $0xFFFF9C00  }
.LBB2_2:
0x49: {  	v0 =	vmov s25;
	_ =	sdelay $0x3  }
0x4a: {  	s1 =	simm.s32 $0x0  }
0x4b: {  	v1 =	vld.idx.msk [tilespmem:v0+s1+$0xFFFFFE00 ss:$0x1], $0xffff  }
0x4c: {  	v2 =	vld.idx.msk [tilespmem:v0+s1+$0xFFFFFE80 ss:$0x1], $0xffff;
	_ =	sdelay $0x1  }
0x4d: {  	v3 =	vld.idx.msk [tilespmem:v0+s1+$0xFFFFFF00 ss:$0x1], $0xffff;
	_ =	sdelay $0x1  }
0x4e: {  	v7 =	vld.idx.msk [tilespmem:v0+s1+$0xFFFFFF80 ss:$0x1], $0xffff  }
0x4f: {  	v5 =	vld.idx.msk [tilespmem:v0+s1+$0x0 ss:$0x1], $0xffff  }
0x50: {  	v4 =	vld.idx.msk [tilespmem:v0+s1+$0x80 ss:$0x1], $0xffff  }
0x51: {  	v9 =	vld.idx.msk [tilespmem:v1+s2+$0x0], $0xffff  }
0x52: {  	v8 =	vld.idx.msk [tilespmem:v2+s2+$0x0], $0xffff  }
0x53: {  	v2 =	vld.idx.msk [tilespmem:v0+s1+$0x100 ss:$0x1], $0xffff  }
0x54: {  	v6 =	vld.idx.msk [tilespmem:v3+s2+$0x0], $0xffff  }
0x55: {  	v1 =	vld.idx.msk [tilespmem:v0+s1+$0x180 ss:$0x1], $0xffff  }
0x56: {  	v11 =	vimm.f32 $0.0e+00;
	s31 =	simm.s32 $0x400;
	v7 =	vld.idx.msk [tilespmem:v7+s2+$0x0], $0xffff;
	v10 =	vand.u32 $0xFFFF0000, v9;
	v9 =	vshll.u32 v9, $0x10  }
0x57: {  	s28 =	sshll.u32 s26, $0x4;
	v3 =	vld.idx.msk [tilespmem:v0+s31+$0xFFFFFE00 ss:$0x1], $0xffff;
	s1 =	simm.s32 $0x2000;
	v10 =	vadd.f32 v10, v11;
	v9 =	vadd.f32 v9, v11  }
.LBB2_3:
0x58: {  	p0 =	sne.s32 s1, $0x18000;
	v11 =	vand.u32 $0xFFFF0000, v8;
	v8 =	vshll.u32 v8, $0x10;
	v5 =	vld.idx.msk [tilespmem:v5+s2+$0x0], $0xffff  }
0x59: {  	v12 =	vld.idx.msk [tilespmem:v0+s31+$0xFFFFFE80 ss:$0x1], $0xffff;
	v10 =	vadd.f32 v11, v10;
	v8 =	vadd.f32 v8, v9  }
0x5a: {  	v9 =	vand.u32 $0xFFFF0000, v6;
	v6 =	vshll.u32 v6, $0x10;
	v4 =	vld.idx.msk [tilespmem:v4+s2+$0x0], $0xffff  }
0x5b: {  	v11 =	vld.idx.msk [tilespmem:v0+s31+$0xFFFFFF00 ss:$0x1], $0xffff;
	v9 =	vadd.f32 v9, v10;
	v6 =	vadd.f32 v6, v8  }
0x5c: {  	v8 =	vand.u32 $0xFFFF0000, v7;
	v7 =	vshll.u32 v7, $0x10;
	v2 =	vld.idx.msk [tilespmem:v2+s2+$0x0], $0xffff  }
0x5d: {  	v10 =	vld.idx.msk [tilespmem:v0+s31+$0xFFFFFF80 ss:$0x1], $0xffff;
	v8 =	vadd.f32 v8, v9;
	v6 =	vadd.f32 v7, v6  }
0x5e: {  	v7 =	vand.u32 $0xFFFF0000, v5;
	v9 =	vshll.u32 v5, $0x10;
	v1 =	vld.idx.msk [tilespmem:v1+s2+$0x0], $0xffff  }
0x5f: {  	v5 =	vld.idx.msk [tilespmem:v0+s31+$0x0 ss:$0x1], $0xffff;
	v7 =	vadd.f32 v7, v8;
	v6 =	vadd.f32 v9, v6  }
0x60: {  	v8 =	vand.u32 $0xFFFF0000, v4;
	v9 =	vshll.u32 v4, $0x10;
	v3 =	vld.idx.msk [tilespmem:v3+s2+$0x0], $0xffff  }
0x61: {  	v4 =	vld.idx.msk [tilespmem:v0+s31+$0x80 ss:$0x1], $0xffff;
	v7 =	vadd.f32 v8, v7;
	v6 =	vadd.f32 v9, v6  }
0x62: {  	v9 =	vand.u32 $0xFFFF0000, v2;
	v8 =	vld.idx.msk [tilespmem:v12+s2+$0x0], $0xffff;
	v12 =	vshll.u32 v2, $0x10  }
.Ltmp0:
0x63: {  	v2 =	vld.idx.msk [tilespmem:v0+s31+$0x100 ss:$0x1], $0xffff;
	v7 =	vadd.f32 v9, v7;
	v9 =	vadd.f32 v12, v6;
	(pc) =	sbr.rel @p0 .LBB2_3-.Ltmp0, $4  }
0x64: {  	v12 =	vshll.u32 v1, $0x10;
	v6 =	vld.idx.msk [tilespmem:v11+s2+$0x0], $0xffff;
	v11 =	vand.u32 $0xFFFF0000, v1  }
0x65: {  	v1 =	vld.idx.msk [tilespmem:v0+s31+$0x180 ss:$0x1], $0xffff;
	v11 =	vadd.f32 v11, v7;
	v9 =	vadd.f32 v12, v9  }
0x66: {  	s31 =	sshra.s32 s1, $0x2;
	v12 =	vand.u32 $0xFFFF0000, v3;
	v13 =	vshll.u32 v3, $0x10;
	v7 =	vld.idx.msk [tilespmem:v10+s2+$0x0], $0xffff  }
0x67: {  	s1 =	sadd.s32 $0x1000, s1;
	v3 =	vld.idx.msk [tilespmem:v0+s31+$0xFFFFFE00 ss:$0x1], $0xffff;
	v10 =	vadd.f32 v12, v11;
	v9 =	vadd.f32 v13, v9  }
0x68: {  	_ =	sdelay $0x2  }
0x69: {  	v11 =	vand.u32 $0xFFFF0000, v8  }
0x6a: {  	v32 =	vshll.u32 v8, $0x10;
	v5 =	vld.idx.msk [tilespmem:v5+s2+$0x0], $0xffff;
	v10 =	vadd.f32 v11, v10  }
0x6b: {  	v33 =	vld.idx.msk [tilespmem:v0+s31+$0xFFFFFE80 ss:$0x1], $0xffff;
	v8 =	vadd.f32 v32, v9;
	v34 =	vand.u32 $0xFFFF0000, v6  }
0x6c: {  	v4 =	vld.idx.msk [tilespmem:v4+s2+$0x0], $0xffff;
	v35 =	vshll.u32 v6, $0x10;
	v9 =	vadd.f32 v34, v10  }
0x6d: {  	v36 =	vld.idx.msk [tilespmem:v0+s31+$0xFFFFFF00 ss:$0x1], $0xffff;
	v6 =	vadd.f32 v35, v8;
	v37 =	vand.u32 $0xFFFF0000, v7  }
0x6e: {  	v2 =	vld.idx.msk [tilespmem:v2+s2+$0x0], $0xffff;
	v38 =	vshll.u32 v7, $0x10;
	v8 =	vadd.f32 v37, v9  }
0x6f: {  	v39 =	vld.idx.msk [tilespmem:v0+s31+$0xFFFFFF80 ss:$0x1], $0xffff;
	v6 =	vadd.f32 v38, v6;
	v40 =	vand.u32 $0xFFFF0000, v5  }
0x70: {  	v1 =	vld.idx.msk [tilespmem:v1+s2+$0x0], $0xffff;
	v5 =	vshll.u32 v5, $0x10;
	v7 =	vadd.f32 v40, v8  }
0x71: {  	v41 =	vld.idx.msk [tilespmem:v0+s31+$0x0 ss:$0x1], $0xffff;
	v42 =	vand.u32 $0xFFFF0000, v4;
	v5 =	vadd.f32 v5, v6  }
0x72: {  	v3 =	vld.idx.msk [tilespmem:v3+s2+$0x0], $0xffff;
	v4 =	vshll.u32 v4, $0x10;
	v6 =	vadd.f32 v42, v7  }
0x73: {  	v43 =	vld.idx.msk [tilespmem:v0+s31+$0x80 ss:$0x1], $0xffff;
	v44 =	vand.u32 $0xFFFF0000, v2;
	v4 =	vadd.f32 v4, v5  }
0x74: {  	v2 =	vshll.u32 v2, $0x10;
	v11 =	vld.idx.msk [tilespmem:v33+s2+$0x0], $0xffff;
	v5 =	vadd.f32 v44, v6  }
0x75: {  	v45 =	vld.idx.msk [tilespmem:v0+s31+$0x100 ss:$0x1], $0xffff;
	v46 =	vand.u32 $0xFFFF0000, v1;
	v2 =	vadd.f32 v2, v4  }
0x76: {  	v1 =	vshll.u32 v1, $0x10;
	v10 =	vld.idx.msk [tilespmem:v36+s2+$0x0], $0xffff;
	v4 =	vadd.f32 v46, v5  }
0x77: {  	v47 =	vld.idx.msk [tilespmem:v0+s31+$0x180 ss:$0x1], $0xffff;
	v48 =	vand.u32 $0xFFFF0000, v3;
	v1 =	vadd.f32 v1, v2  }
0x78: {  	v49 =	vld.idx.msk [tilespmem:v39+s2+$0x0], $0xffff;
	v3 =	vshll.u32 v3, $0x10;
	v2 =	vadd.f32 v48, v4  }
0x79: {  	v50 =	vand.u32 $0xFFFF0000, v11;
	v1 =	vadd.f32 v3, v1  }
0x7a: {  	v8 =	vld.idx.msk [tilespmem:v41+s2+$0x0], $0xffff;
	v51 =	vshll.u32 v11, $0x10;
	v2 =	vadd.f32 v50, v2  }
0x7b: {  	v52 =	vand.u32 $0xFFFF0000, v10;
	v1 =	vadd.f32 v51, v1  }
0x7c: {  	v7 =	vld.idx.msk [tilespmem:v43+s2+$0x0], $0xffff;
	v53 =	vshll.u32 v10, $0x10;
	v2 =	vadd.f32 v52, v2  }
0x7d: {  	v54 =	vand.u32 $0xFFFF0000, v49;
	v1 =	vadd.f32 v53, v1  }
0x7e: {  	v56 =	vld.idx.msk [tilespmem:v45+s2+$0x0], $0xffff;
	v55 =	vshll.u32 v49, $0x10;
	v2 =	vadd.f32 v54, v2  }
0x7f: {  	v57 =	vand.u32 $0xFFFF0000, v8;
	v1 =	vadd.f32 v55, v1  }
0x80: {  	v0 =	vld.idx.msk [tilespmem:v47+s2+$0x0], $0xffff;
	v58 =	vshll.u32 v8, $0x10;
	v2 =	vadd.f32 v57, v2  }
0x81: {  	v59 =	vand.u32 $0xFFFF0000, v7;
	v1 =	vadd.f32 v58, v1  }
0x82: {  	v60 =	vshll.u32 v7, $0x10;
	v2 =	vadd.f32 v59, v2  }
0x83: {  	s26 =	sadd.s32 $0x1, s26;
	v61 =	vand.u32 $0xFFFF0000, v56;
	v1 =	vadd.f32 v60, v1  }
0x84: {  	p0 =	sne.s32 s26, $0x8;
	v62 =	vshll.u32 v56, $0x10;
	v2 =	vadd.f32 v61, v2  }
.Ltmp1:
0x85: {  	v63 =	vand.u32 $0xFFFF0000, v0;
	v1 =	vadd.f32 v62, v1;
	(pc) =	sbr.rel @p0 .LBB2_2-.Ltmp1, $4  }
0x86: {  	v0 =	vshll.u32 v0, $0x10;
	v2 =	vadd.f32 v63, v2  }
0x87: {  	v0 =	vadd.f32 v0, v1  }
0x88: {  	[tilespmem:s28+$0xAC80] =	vst v2  }
0x89: {  	s25 =	sadd.s32 $0x10, s25;
	[tilespmem:s28+$0xAD00] =	vst v0  }
0x8a: {  	s1 =	simm.s32 $0xAC80  }
0x8b: {  	[hbm4b:s21+s2] =	stream.linear.scatter [tilespmem:s1], [sflag:$0x3], $0x80, $0x38;
	[tilespmem:$0xAD80] =	vst v63  }
0x8c: {  	s24 =	sadd.s32 $0x1, s24;
	_ =	swait.ge [sflag:s0], $0x80  }
0x8d: {  	p0 =	sne.s32 s24, s23;
	[sflag:s0] =	ssyncset.done $0x0  }
.Ltmp2:
0x8e: {  	s31 =	simm.s32 $0xAD00;
	[sflag:s0] =	ssyncadd.s32 $0xFFFFFF80;
	(pc) =	sbr.rel @p0 .LBB2_1-.Ltmp2, $4  }
0x8f: {  	[hbm4b:s22+s2] =	stream.linear.scatter [tilespmem:s31], [sflag:$0x3], $0x80, $0x38;
	[tilespmem:$0xAD80] =	vst v63  }
0x90: {  	_ =	swait.ge [sflag:s0], $0x80  }
0x91: {  	[sflag:s0] =	ssyncset.done $0x0  }
0x92: {  	[sflag:s0] =	ssyncadd.s32 $0xFFFFFF80  }
0x93: {  	_ =	sfence.sel $0x180000  }
0x94: {  	[bflag:$0x0] =	sbarrier.arrive $0xFFFF  }
0x95: {  	_ =	strace $0x90000047  }
0x96: {  	s0 =	stileid.u32;
	[bflag:$0x2] =	sbarrier.arrive $0xFFFF  }
0x97: {  	p0 =	sne.s32 s0, $0x0;
	s0 =	rddreg [dreg:$0x3]  }
0x98: {  	s0 =	sadd.s32 @!p0 $0x100000, s0  }
0x99: {  	[sflag:s0] =	ssyncadd.tile.s32 @!p0 $0x1;
	_ =	shalt  }
.Lfunc_end2:
_tile_overlayer_lowered:
.L_overlay_start_2:
0x9a: {  	(tag) =	ssettag $0x2  }
0x9b: {  	s0 =	rddreg [dreg:$0x0];
	s2 =	stileid.u32  }
0x9c: {  	s1 =	rddreg [dreg:$0x1];
	p0 =	sne.s32 s2, $0x0  }
0x9d: {  	s3 =	rddreg [dreg:$0x2];
	[bflag:$0x3] =	sbarrier.arrive $0xFFFF;
	s2 =	simm.s32 @!p0 $0x1C03  }
0x9e: {  	[timem:s3], [sflag:s2] =	dma.local @!p0 [hbm:s0], s1  }
0x9f: {  	s0 =	simm.s32 @!p0 $0x3  }
0xa0: {  	_ =	swait.ge @!p0 [sflag:s0], s1  }
0xa1: {  	s1 =	ssub.s32 @!p0 $0x0, s1;
	[sflag:s0] =	ssyncset.done @!p0 $0x0  }
0xa2: {  	[sflag:s0] =	ssyncadd.s32 @!p0 s1  }
0xa3: {  	[bflag:$0x3] =	sbarrier.arrive $0xFFFF  }
0xa4: {  	_ =	shalt  }

</sc_bundles>
